<compile_context>
chip_gen: v7x
topology: tpu7x:2x2x1
jax: 0.10.2.dev20260603
libtpu: 0.0.44.dev20260713+nightly
codegen_flags: <defaults>
</compile_context>

<pallas_src>
import functools

import jax
import jax.numpy as jnp
from jax import lax
from jax.experimental import pallas as pl
from jax.experimental.pallas import tpu as pltpu
from jax.experimental.pallas import tpu_sc as plsc

B = 4
N = 4096
K = 8
C = 8
TQ = 256

NC = 2
NS = 16
NW = NC * NS
QW = (B * N) // NW
RW = QW * K
GCH = 128
NCH = RW // GCH


def _knn_idx_body(q_ref, kt_ref, w_ref, b_ref, fdup_ref, idx_ref):
    q = q_ref[0]
    kt = kt_ref[0]
    w = w_ref[...]
    bias = b_ref[...]

    sq_k = jnp.sum(kt * kt, axis=0, keepdims=True)
    sq_q = jnp.sum(q * q, axis=1, keepdims=True)
    inner = jax.lax.dot_general(
        q, kt, (((1,), (0,)), ((), ())),
        preferred_element_type=jnp.float32)
    d = sq_q - 2.0 * inner + sq_k

    f_q = jax.lax.dot_general(
        q, w, (((1,), (1,)), ((), ())),
        preferred_element_type=jnp.float32,
        precision=jax.lax.Precision.HIGHEST) + bias
    fdup_ref[...] = jnp.concatenate([f_q, f_q], axis=1)

    keys = (jax.lax.bitcast_convert_type(d + 1.0, jnp.uint32)
            & jnp.uint32(0xFFFFFFE0))
    big = jnp.float32(3.0e38)
    planes = [jnp.full((TQ, 128), big, jnp.float32) for _ in range(4)]
    for c in range(32):
        cv = jax.lax.bitcast_convert_type(
            keys[:, c * 128:(c + 1) * 128] | jnp.uint32(c), jnp.float32)
        for l in range(4):
            lo = jnp.minimum(planes[l], cv)
            cv = jnp.maximum(planes[l], cv)
            planes[l] = lo

    lane = jax.lax.broadcasted_iota(
        jnp.int32, (TQ, 128), 1).astype(jnp.float32)
    cand = jnp.concatenate(planes, axis=1)
    oidx = jnp.concatenate(
        [(jax.lax.bitcast_convert_type(p, jnp.uint32)
          & jnp.uint32(31)).astype(jnp.float32) * 128.0 + lane
         for p in planes], axis=1)
    nf = jnp.float32(N)
    cols = []
    for j in range(K):
        m = jnp.min(cand, axis=1, keepdims=True)
        first = jnp.min(jnp.where(cand == m, oidx, nf), axis=1,
                        keepdims=True)
        cols.append(first)
        if j < K - 1:
            cand = jnp.where(oidx == first, big, cand)
    base = pl.program_id(0) * N
    idx_ref[...] = (jnp.concatenate(cols, axis=1).astype(jnp.int32)
                    + base)


def _sc_gather_body(fdup_hbm, idxg_hbm, out_hbm, idx_v, rows_v, fq_v, gsem):
    wid = lax.axis_index("s") * NC + lax.axis_index("c")
    qbase = wid * QW
    pltpu.sync_copy(idxg_hbm.at[pl.ds(wid * NCH, NCH)], idx_v)
    pltpu.sync_copy(fdup_hbm.at[pl.ds(qbase, QW)], fq_v)
    copies = []
    for c in range(NCH):
        copies.append(
            pltpu.async_copy(
                fdup_hbm.at[idx_v.at[c]],
                rows_v.at[pl.ds(c * GCH, GCH)],
                gsem))
    for cp in copies:
        cp.wait()

    half = lax.iota(jnp.int32, 2 * C) < C

    def body(qi, _):
        fq = fq_v[qi]
        for j in range(K):
            r = qi * K + j
            v = rows_v[r]
            rows_v[r] = jnp.where(half, v - fq, fq)
        return _

    lax.fori_loop(0, QW, body, None)
    pltpu.sync_copy(rows_v, out_hbm.at[pl.ds(wid * RW, RW)])


@functools.lru_cache(maxsize=1)
def _make_sc_gather():
    return pl.kernel(
        _sc_gather_body,
        out_type=jax.ShapeDtypeStruct((B * N * K, 2 * C), jnp.float32),
        mesh=plsc.VectorSubcoreMesh(
            core_axis_name="c", subcore_axis_name="s"),
        scratch_types=[
            pltpu.VMEM((NCH, GCH), jnp.int32),
            pltpu.VMEM((RW, 2 * C), jnp.float32),
            pltpu.VMEM((QW, 2 * C), jnp.float32),
            pltpu.SemaphoreType.DMA,
        ],
        compiler_params=pltpu.CompilerParams(use_tc_tiling_on_sc=False),
    )


def kernel(points, W, b):
    points_t = jnp.transpose(points, (0, 2, 1))
    bias = b.reshape(1, C)
    grid = (B, N // TQ)
    fdup, idxg = pl.pallas_call(
        _knn_idx_body,
        grid=grid,
        in_specs=[
            pl.BlockSpec((1, TQ, 3), lambda i, j: (i, j, 0)),
            pl.BlockSpec((1, 3, N), lambda i, j: (i, 0, 0)),
            pl.BlockSpec((C, 3), lambda i, j: (0, 0)),
            pl.BlockSpec((1, C), lambda i, j: (0, 0)),
        ],
        out_specs=[
            pl.BlockSpec((TQ, 2 * C), lambda i, j: (i * (N // TQ) + j, 0)),
            pl.BlockSpec((TQ, K), lambda i, j: (i * (N // TQ) + j, 0)),
        ],
        out_shape=[
            jax.ShapeDtypeStruct((B * N, 2 * C), jnp.float32),
            jax.ShapeDtypeStruct((B * N, K), jnp.int32),
        ],
    )(points, points_t, W, bias)
    out = _make_sc_gather()(fdup, idxg.reshape(B * N * K // GCH, GCH))
    return jnp.transpose(out.reshape(B, N, K, 2 * C), (0, 3, 1, 2))

# --- scband reference (transcript-rebuilt; emitter-appended) ---
"""Pipeline reference for scband-pcproj-24017457119740 (READ-ONLY COPY).

The authoritative reference and input builder live on the scoring server;
editing this copy changes nothing except your own understanding.
"""

import jax, jax.numpy as jnp
import numpy as np


def setup_inputs(seed: int = 0) -> dict:
    key = jax.random.key(seed)
    k1, k2, k3 = jax.random.split(key, 3)
    points = jax.random.normal(k1, (4, 4096, 3), dtype=jnp.float32)
    W = jax.random.normal(k2, (8, 3), dtype=jnp.float32) * 0.1
    b = jax.random.normal(k3, (8,), dtype=jnp.float32) * 0.1
    return {"points": points, "W": W, "b": b}


def knn_point(k, xyz_k, xyz_q):
    # xyz_k: [B, N, 3] (database), xyz_q: [B, M, 3] (queries)
    sq_k = jnp.sum(xyz_k * xyz_k, axis=-1)          # [B, N]
    sq_q = jnp.sum(xyz_q * xyz_q, axis=-1)          # [B, M]
    inner = jnp.einsum('bmd,bnd->bmn', xyz_q, xyz_k)  # [B, M, N]
    sqrdists = sq_q[:, :, None] - 2.0 * inner + sq_k[:, None, :]
    _, idx = jax.lax.top_k(-sqrdists, k)            # [B, M, k] smallest distances
    return idx


def reference(points, W, b):
    # Faithful jax translation of PCProj's knn feature pipeline:
    #   f = input_trans(pc)  (Conv1d(3, trans_dim, 1) == pointwise linear)
    #   f = get_graph_feature(coor, f, coor, f, k=local_size)
    k = 8  # self.local_size
    coor = points                                   # [B, N, 3]
    f = jnp.einsum('bnc,oc->bno', points, W) + b    # [B, N, 8]
    idx = knn_point(k, coor, coor)                  # [B, N, k] (no_grad in torch; int indices in jax)
    B, N, C = f.shape
    # feature = x_k.view(B*N, C)[idx] -> gather neighbor features
    batch_idx = jnp.arange(B)[:, None, None]
    feature = f[batch_idx, idx, :]                  # [B, N, k, C]
    x_q = f[:, :, None, :]                          # [B, N, 1, C]
    feature = jnp.concatenate(
        [feature - x_q, jnp.broadcast_to(x_q, (B, N, k, C))], axis=-1
    )                                               # [B, N, k, 2C]
    feature = jnp.transpose(feature, (0, 3, 1, 2))  # [B, 2C, N, k]
    return feature

if __name__ == "__main__":
    import jax
    _d = setup_inputs()
    print(jax.jit(kernel)(*tuple(_d.values())))

</pallas_src>

<mosaic_0001>
#map = affine_map<(d0, d1) -> (0, 0)>
module attributes {stable_mosaic.version = 14 : i64} {
  func.func @_sc_gather_body(%arg0: i32, %arg1: i32, %arg2: memref<16384x16xf32, #tpu.memory_space<hbm>>, %arg3: memref<1024x128xi32, #tpu.memory_space<hbm>>, %arg4: memref<131072x16xf32, #tpu.memory_space<hbm>>, %arg5: memref<32x128xi32, #tpu.memory_space<vmem>>, %arg6: memref<4096x16xf32, #tpu.memory_space<vmem>>, %arg7: memref<512x16xf32, #tpu.memory_space<vmem>>, %arg8: memref<!tpu.dma_semaphore, #tpu.memory_space<semaphore_mem>>) attributes {dimension_semantics = [#tpu.dimension_semantics<core_parallel>, #tpu.dimension_semantics<subcore_parallel>], iteration_bounds = array<i64: 2, 16>, scalar_prefetch = 0 : i64, scratch_operands = 4 : i64, tpu.core_type = #tpu.core_type<sc_vector_subcore>, window_params = [{transform_indices = #map}, {transform_indices = #map}, {transform_indices = #map}]} {
    %mul3A = arith.constant 2 : i32
    %mul3A_0 = arith.muli %arg1, %mul3A : i32
    %add3A = arith.addi %mul3A_0, %arg0 : i32
    %mul3A_1 = arith.constant 512 : i32
    %mul3A_2 = arith.muli %add3A, %mul3A_1 : i32
    %mul3A_3 = arith.constant 32 : i32
    %mul3A_4 = arith.muli %add3A, %mul3A_3 : i32
    "tpu.region"() ({
      %run_scoped3A = tpu.sem_alloc : memref<!tpu.dma_semaphore, #tpu.memory_space<semaphore_mem>>
      %dma_start3A_651 = arith.constant 0 : i32
      %dma_start3A_652 = tpu.memref_slice %arg3[%mul3A_4, %dma_start3A_651] : memref<1024x128xi32, #tpu.memory_space<hbm>> -> memref<32x128xi32, #tpu.memory_space<hbm>>
      %dma_start3A_653 = arith.constant 0 : i32
      %dma_start3A_654 = tpu.memref_slice %arg3[%mul3A_4, %dma_start3A_653] : memref<1024x128xi32, #tpu.memory_space<hbm>> -> memref<32x128xi32, #tpu.memory_space<hbm>>
      tpu.enqueue_dma source(%dma_start3A_654 : memref<32x128xi32, #tpu.memory_space<hbm>>) target(%arg5 : memref<32x128xi32, #tpu.memory_space<vmem>>) target_semaphore(%run_scoped3A : memref<!tpu.dma_semaphore, #tpu.memory_space<semaphore_mem>>)
      %dma_wait3A_655 = arith.constant 0 : i32
      %dma_wait3A_656 = tpu.memref_slice %arg3[%mul3A_4, %dma_wait3A_655] : memref<1024x128xi32, #tpu.memory_space<hbm>> -> memref<32x128xi32, #tpu.memory_space<hbm>>
      %dma_wait3A_657 = arith.constant 0 : i32
      %dma_wait3A_658 = tpu.memref_slice %arg3[%mul3A_4, %dma_wait3A_657] : memref<1024x128xi32, #tpu.memory_space<hbm>> -> memref<32x128xi32, #tpu.memory_space<hbm>>
      tpu.wait_dma2 semaphore(%run_scoped3A : memref<!tpu.dma_semaphore, #tpu.memory_space<semaphore_mem>>) src(%dma_wait3A_658 : memref<32x128xi32, #tpu.memory_space<hbm>>) dst(%arg5 : memref<32x128xi32, #tpu.memory_space<vmem>>)
      tpu.yield
    }) : () -> ()
    "tpu.region"() ({
      %run_scoped3A = tpu.sem_alloc : memref<!tpu.dma_semaphore, #tpu.memory_space<semaphore_mem>>
      %dma_start3A_651 = arith.constant 0 : i32
      %dma_start3A_652 = tpu.memref_slice %arg2[%mul3A_2, %dma_start3A_651] : memref<16384x16xf32, #tpu.memory_space<hbm>> -> memref<512x16xf32, #tpu.memory_space<hbm>>
      %dma_start3A_653 = arith.constant 0 : i32
      %dma_start3A_654 = tpu.memref_slice %arg2[%mul3A_2, %dma_start3A_653] : memref<16384x16xf32, #tpu.memory_space<hbm>> -> memref<512x16xf32, #tpu.memory_space<hbm>>
      tpu.enqueue_dma source(%dma_start3A_654 : memref<512x16xf32, #tpu.memory_space<hbm>>) target(%arg7 : memref<512x16xf32, #tpu.memory_space<vmem>>) target_semaphore(%run_scoped3A : memref<!tpu.dma_semaphore, #tpu.memory_space<semaphore_mem>>)
      %dma_wait3A_655 = arith.constant 0 : i32
      %dma_wait3A_656 = tpu.memref_slice %arg2[%mul3A_2, %dma_wait3A_655] : memref<16384x16xf32, #tpu.memory_space<hbm>> -> memref<512x16xf32, #tpu.memory_space<hbm>>
      %dma_wait3A_657 = arith.constant 0 : i32
      %dma_wait3A_658 = tpu.memref_slice %arg2[%mul3A_2, %dma_wait3A_657] : memref<16384x16xf32, #tpu.memory_space<hbm>> -> memref<512x16xf32, #tpu.memory_space<hbm>>
      tpu.wait_dma2 semaphore(%run_scoped3A : memref<!tpu.dma_semaphore, #tpu.memory_space<semaphore_mem>>) src(%dma_wait3A_658 : memref<512x16xf32, #tpu.memory_space<hbm>>) dst(%arg7 : memref<512x16xf32, #tpu.memory_space<vmem>>)
      tpu.yield
    }) : () -> ()
    %dma_start3A = arith.constant 0 : i32
    %dma_start3A_5 = arith.constant 0 : i32
    %dma_start3A_6 = arith.constant 0 : i32
    %dma_start3A_7 = tpu.memref_slice %arg6[%dma_start3A_5, %dma_start3A_6] : memref<4096x16xf32, #tpu.memory_space<vmem>> -> memref<128x16xf32, #tpu.memory_space<vmem>>
    %dma_start3A_8 = arith.constant 0 : i32
    %dma_start3A_9 = tpu.memref_slice %arg5[%dma_start3A, %dma_start3A_8] : memref<32x128xi32, #tpu.memory_space<vmem>> -> memref<1x128xi32, #tpu.memory_space<vmem>>
    %dma_start3A_10 = tpu.memref_squeeze %dma_start3A_9 : memref<1x128xi32, #tpu.memory_space<vmem>> -> memref<128xi32, #tpu.memory_space<vmem>>
    %dma_start3A_11 = arith.constant 0 : i32
    %dma_start3A_12 = arith.constant 0 : i32
    %dma_start3A_13 = tpu.memref_slice %arg2[%dma_start3A_11, %dma_start3A_12] : memref<16384x16xf32, #tpu.memory_space<hbm>> -> memref<16384x16xf32, #tpu.memory_space<hbm>>
    tpu.enqueue_indirect_dma source(%dma_start3A_13 : memref<16384x16xf32, #tpu.memory_space<hbm>>) target(%dma_start3A_7 : memref<128x16xf32, #tpu.memory_space<vmem>>) offsets(%dma_start3A_10 : memref<128xi32, #tpu.memory_space<vmem>>) semaphore(%arg8 : memref<!tpu.dma_semaphore, #tpu.memory_space<semaphore_mem>>)
    %dma_start3A_14 = arith.constant 1 : i32
    %dma_start3A_15 = arith.constant 128 : i32
    %dma_start3A_16 = arith.constant 0 : i32
    %dma_start3A_17 = tpu.memref_slice %arg6[%dma_start3A_15, %dma_start3A_16] : memref<4096x16xf32, #tpu.memory_space<vmem>> -> memref<128x16xf32, #tpu.memory_space<vmem>>
    %dma_start3A_18 = arith.constant 0 : i32
    %dma_start3A_19 = tpu.memref_slice %arg5[%dma_start3A_14, %dma_start3A_18] : memref<32x128xi32, #tpu.memory_space<vmem>> -> memref<1x128xi32, #tpu.memory_space<vmem>>
    %dma_start3A_20 = tpu.memref_squeeze %dma_start3A_19 : memref<1x128xi32, #tpu.memory_space<vmem>> -> memref<128xi32, #tpu.memory_space<vmem>>
    %dma_start3A_21 = arith.constant 0 : i32
    %dma_start3A_22 = arith.constant 0 : i32
    %dma_start3A_23 = tpu.memref_slice %arg2[%dma_start3A_21, %dma_start3A_22] : memref<16384x16xf32, #tpu.memory_space<hbm>> -> memref<16384x16xf32, #tpu.memory_space<hbm>>
    tpu.enqueue_indirect_dma source(%dma_start3A_23 : memref<16384x16xf32, #tpu.memory_space<hbm>>) target(%dma_start3A_17 : memref<128x16xf32, #tpu.memory_space<vmem>>) offsets(%dma_start3A_20 : memref<128xi32, #tpu.memory_space<vmem>>) semaphore(%arg8 : memref<!tpu.dma_semaphore, #tpu.memory_space<semaphore_mem>>)
    %dma_start3A_24 = arith.constant 2 : i32
    %dma_start3A_25 = arith.constant 256 : i32
    %dma_start3A_26 = arith.constant 0 : i32
    %dma_start3A_27 = tpu.memref_slice %arg6[%dma_start3A_25, %dma_start3A_26] : memref<4096x16xf32, #tpu.memory_space<vmem>> -> memref<128x16xf32, #tpu.memory_space<vmem>>
    %dma_start3A_28 = arith.constant 0 : i32
    %dma_start3A_29 = tpu.memref_slice %arg5[%dma_start3A_24, %dma_start3A_28] : memref<32x128xi32, #tpu.memory_space<vmem>> -> memref<1x128xi32, #tpu.memory_space<vmem>>
    %dma_start3A_30 = tpu.memref_squeeze %dma_start3A_29 : memref<1x128xi32, #tpu.memory_space<vmem>> -> memref<128xi32, #tpu.memory_space<vmem>>
    %dma_start3A_31 = arith.constant 0 : i32
    %dma_start3A_32 = arith.constant 0 : i32
    %dma_start3A_33 = tpu.memref_slice %arg2[%dma_start3A_31, %dma_start3A_32] : memref<16384x16xf32, #tpu.memory_space<hbm>> -> memref<16384x16xf32, #tpu.memory_space<hbm>>
    tpu.enqueue_indirect_dma source(%dma_start3A_33 : memref<16384x16xf32, #tpu.memory_space<hbm>>) target(%dma_start3A_27 : memref<128x16xf32, #tpu.memory_space<vmem>>) offsets(%dma_start3A_30 : memref<128xi32, #tpu.memory_space<vmem>>) semaphore(%arg8 : memref<!tpu.dma_semaphore, #tpu.memory_space<semaphore_mem>>)
    %dma_start3A_34 = arith.constant 3 : i32
    %dma_start3A_35 = arith.constant 384 : i32
    %dma_start3A_36 = arith.constant 0 : i32
    %dma_start3A_37 = tpu.memref_slice %arg6[%dma_start3A_35, %dma_start3A_36] : memref<4096x16xf32, #tpu.memory_space<vmem>> -> memref<128x16xf32, #tpu.memory_space<vmem>>
    %dma_start3A_38 = arith.constant 0 : i32
    %dma_start3A_39 = tpu.memref_slice %arg5[%dma_start3A_34, %dma_start3A_38] : memref<32x128xi32, #tpu.memory_space<vmem>> -> memref<1x128xi32, #tpu.memory_space<vmem>>
    %dma_start3A_40 = tpu.memref_squeeze %dma_start3A_39 : memref<1x128xi32, #tpu.memory_space<vmem>> -> memref<128xi32, #tpu.memory_space<vmem>>
    %dma_start3A_41 = arith.constant 0 : i32
    %dma_start3A_42 = arith.constant 0 : i32
    %dma_start3A_43 = tpu.memref_slice %arg2[%dma_start3A_41, %dma_start3A_42] : memref<16384x16xf32, #tpu.memory_space<hbm>> -> memref<16384x16xf32, #tpu.memory_space<hbm>>
    tpu.enqueue_indirect_dma source(%dma_start3A_43 : memref<16384x16xf32, #tpu.memory_space<hbm>>) target(%dma_start3A_37 : memref<128x16xf32, #tpu.memory_space<vmem>>) offsets(%dma_start3A_40 : memref<128xi32, #tpu.memory_space<vmem>>) semaphore(%arg8 : memref<!tpu.dma_semaphore, #tpu.memory_space<semaphore_mem>>)
    %dma_start3A_44 = arith.constant 4 : i32
    %dma_start3A_45 = arith.constant 512 : i32
    %dma_start3A_46 = arith.constant 0 : i32
    %dma_start3A_47 = tpu.memref_slice %arg6[%dma_start3A_45, %dma_start3A_46] : memref<4096x16xf32, #tpu.memory_space<vmem>> -> memref<128x16xf32, #tpu.memory_space<vmem>>
    %dma_start3A_48 = arith.constant 0 : i32
    %dma_start3A_49 = tpu.memref_slice %arg5[%dma_start3A_44, %dma_start3A_48] : memref<32x128xi32, #tpu.memory_space<vmem>> -> memref<1x128xi32, #tpu.memory_space<vmem>>
    %dma_start3A_50 = tpu.memref_squeeze %dma_start3A_49 : memref<1x128xi32, #tpu.memory_space<vmem>> -> memref<128xi32, #tpu.memory_space<vmem>>
    %dma_start3A_51 = arith.constant 0 : i32
    %dma_start3A_52 = arith.constant 0 : i32
    %dma_start3A_53 = tpu.memref_slice %arg2[%dma_start3A_51, %dma_start3A_52] : memref<16384x16xf32, #tpu.memory_space<hbm>> -> memref<16384x16xf32, #tpu.memory_space<hbm>>
    tpu.enqueue_indirect_dma source(%dma_start3A_53 : memref<16384x16xf32, #tpu.memory_space<hbm>>) target(%dma_start3A_47 : memref<128x16xf32, #tpu.memory_space<vmem>>) offsets(%dma_start3A_50 : memref<128xi32, #tpu.memory_space<vmem>>) semaphore(%arg8 : memref<!tpu.dma_semaphore, #tpu.memory_space<semaphore_mem>>)
    %dma_start3A_54 = arith.constant 5 : i32
    %dma_start3A_55 = arith.constant 640 : i32
    %dma_start3A_56 = arith.constant 0 : i32
    %dma_start3A_57 = tpu.memref_slice %arg6[%dma_start3A_55, %dma_start3A_56] : memref<4096x16xf32, #tpu.memory_space<vmem>> -> memref<128x16xf32, #tpu.memory_space<vmem>>
    %dma_start3A_58 = arith.constant 0 : i32
    %dma_start3A_59 = tpu.memref_slice %arg5[%dma_start3A_54, %dma_start3A_58] : memref<32x128xi32, #tpu.memory_space<vmem>> -> memref<1x128xi32, #tpu.memory_space<vmem>>
    %dma_start3A_60 = tpu.memref_squeeze %dma_start3A_59 : memref<1x128xi32, #tpu.memory_space<vmem>> -> memref<128xi32, #tpu.memory_space<vmem>>
    %dma_start3A_61 = arith.constant 0 : i32
    %dma_start3A_62 = arith.constant 0 : i32
    %dma_start3A_63 = tpu.memref_slice %arg2[%dma_start3A_61, %dma_start3A_62] : memref<16384x16xf32, #tpu.memory_space<hbm>> -> memref<16384x16xf32, #tpu.memory_space<hbm>>
    tpu.enqueue_indirect_dma source(%dma_start3A_63 : memref<16384x16xf32, #tpu.memory_space<hbm>>) target(%dma_start3A_57 : memref<128x16xf32, #tpu.memory_space<vmem>>) offsets(%dma_start3A_60 : memref<128xi32, #tpu.memory_space<vmem>>) semaphore(%arg8 : memref<!tpu.dma_semaphore, #tpu.memory_space<semaphore_mem>>)
    %dma_start3A_64 = arith.constant 6 : i32
    %dma_start3A_65 = arith.constant 768 : i32
    %dma_start3A_66 = arith.constant 0 : i32
    %dma_start3A_67 = tpu.memref_slice %arg6[%dma_start3A_65, %dma_start3A_66] : memref<4096x16xf32, #tpu.memory_space<vmem>> -> memref<128x16xf32, #tpu.memory_space<vmem>>
    %dma_start3A_68 = arith.constant 0 : i32
    %dma_start3A_69 = tpu.memref_slice %arg5[%dma_start3A_64, %dma_start3A_68] : memref<32x128xi32, #tpu.memory_space<vmem>> -> memref<1x128xi32, #tpu.memory_space<vmem>>
    %dma_start3A_70 = tpu.memref_squeeze %dma_start3A_69 : memref<1x128xi32, #tpu.memory_space<vmem>> -> memref<128xi32, #tpu.memory_space<vmem>>
    %dma_start3A_71 = arith.constant 0 : i32
    %dma_start3A_72 = arith.constant 0 : i32
    %dma_start3A_73 = tpu.memref_slice %arg2[%dma_start3A_71, %dma_start3A_72] : memref<16384x16xf32, #tpu.memory_space<hbm>> -> memref<16384x16xf32, #tpu.memory_space<hbm>>
    tpu.enqueue_indirect_dma source(%dma_start3A_73 : memref<16384x16xf32, #tpu.memory_space<hbm>>) target(%dma_start3A_67 : memref<128x16xf32, #tpu.memory_space<vmem>>) offsets(%dma_start3A_70 : memref<128xi32, #tpu.memory_space<vmem>>) semaphore(%arg8 : memref<!tpu.dma_semaphore, #tpu.memory_space<semaphore_mem>>)
    %dma_start3A_74 = arith.constant 7 : i32
    %dma_start3A_75 = arith.constant 896 : i32
    %dma_start3A_76 = arith.constant 0 : i32
    %dma_start3A_77 = tpu.memref_slice %arg6[%dma_start3A_75, %dma_start3A_76] : memref<4096x16xf32, #tpu.memory_space<vmem>> -> memref<128x16xf32, #tpu.memory_space<vmem>>
    %dma_start3A_78 = arith.constant 0 : i32
    %dma_start3A_79 = tpu.memref_slice %arg5[%dma_start3A_74, %dma_start3A_78] : memref<32x128xi32, #tpu.memory_space<vmem>> -> memref<1x128xi32, #tpu.memory_space<vmem>>
    %dma_start3A_80 = tpu.memref_squeeze %dma_start3A_79 : memref<1x128xi32, #tpu.memory_space<vmem>> -> memref<128xi32, #tpu.memory_space<vmem>>
    %dma_start3A_81 = arith.constant 0 : i32
    %dma_start3A_82 = arith.constant 0 : i32
    %dma_start3A_83 = tpu.memref_slice %arg2[%dma_start3A_81, %dma_start3A_82] : memref<16384x16xf32, #tpu.memory_space<hbm>> -> memref<16384x16xf32, #tpu.memory_space<hbm>>
    tpu.enqueue_indirect_dma source(%dma_start3A_83 : memref<16384x16xf32, #tpu.memory_space<hbm>>) target(%dma_start3A_77 : memref<128x16xf32, #tpu.memory_space<vmem>>) offsets(%dma_start3A_80 : memref<128xi32, #tpu.memory_space<vmem>>) semaphore(%arg8 : memref<!tpu.dma_semaphore, #tpu.memory_space<semaphore_mem>>)
    %dma_start3A_84 = arith.constant 8 : i32
    %dma_start3A_85 = arith.constant 1024 : i32
    %dma_start3A_86 = arith.constant 0 : i32
    %dma_start3A_87 = tpu.memref_slice %arg6[%dma_start3A_85, %dma_start3A_86] : memref<4096x16xf32, #tpu.memory_space<vmem>> -> memref<128x16xf32, #tpu.memory_space<vmem>>
    %dma_start3A_88 = arith.constant 0 : i32
    %dma_start3A_89 = tpu.memref_slice %arg5[%dma_start3A_84, %dma_start3A_88] : memref<32x128xi32, #tpu.memory_space<vmem>> -> memref<1x128xi32, #tpu.memory_space<vmem>>
    %dma_start3A_90 = tpu.memref_squeeze %dma_start3A_89 : memref<1x128xi32, #tpu.memory_space<vmem>> -> memref<128xi32, #tpu.memory_space<vmem>>
    %dma_start3A_91 = arith.constant 0 : i32
    %dma_start3A_92 = arith.constant 0 : i32
    %dma_start3A_93 = tpu.memref_slice %arg2[%dma_start3A_91, %dma_start3A_92] : memref<16384x16xf32, #tpu.memory_space<hbm>> -> memref<16384x16xf32, #tpu.memory_space<hbm>>
    tpu.enqueue_indirect_dma source(%dma_start3A_93 : memref<16384x16xf32, #tpu.memory_space<hbm>>) target(%dma_start3A_87 : memref<128x16xf32, #tpu.memory_space<vmem>>) offsets(%dma_start3A_90 : memref<128xi32, #tpu.memory_space<vmem>>) semaphore(%arg8 : memref<!tpu.dma_semaphore, #tpu.memory_space<semaphore_mem>>)
    %dma_start3A_94 = arith.constant 9 : i32
    %dma_start3A_95 = arith.constant 1152 : i32
    %dma_start3A_96 = arith.constant 0 : i32
    %dma_start3A_97 = tpu.memref_slice %arg6[%dma_start3A_95, %dma_start3A_96] : memref<4096x16xf32, #tpu.memory_space<vmem>> -> memref<128x16xf32, #tpu.memory_space<vmem>>
    %dma_start3A_98 = arith.constant 0 : i32
    %dma_start3A_99 = tpu.memref_slice %arg5[%dma_start3A_94, %dma_start3A_98] : memref<32x128xi32, #tpu.memory_space<vmem>> -> memref<1x128xi32, #tpu.memory_space<vmem>>
    %dma_start3A_100 = tpu.memref_squeeze %dma_start3A_99 : memref<1x128xi32, #tpu.memory_space<vmem>> -> memref<128xi32, #tpu.memory_space<vmem>>
    %dma_start3A_101 = arith.constant 0 : i32
    %dma_start3A_102 = arith.constant 0 : i32
    %dma_start3A_103 = tpu.memref_slice %arg2[%dma_start3A_101, %dma_start3A_102] : memref<16384x16xf32, #tpu.memory_space<hbm>> -> memref<16384x16xf32, #tpu.memory_space<hbm>>
    tpu.enqueue_indirect_dma source(%dma_start3A_103 : memref<16384x16xf32, #tpu.memory_space<hbm>>) target(%dma_start3A_97 : memref<128x16xf32, #tpu.memory_space<vmem>>) offsets(%dma_start3A_100 : memref<128xi32, #tpu.memory_space<vmem>>) semaphore(%arg8 : memref<!tpu.dma_semaphore, #tpu.memory_space<semaphore_mem>>)
    %dma_start3A_104 = arith.constant 10 : i32
    %dma_start3A_105 = arith.constant 1280 : i32
    %dma_start3A_106 = arith.constant 0 : i32
    %dma_start3A_107 = tpu.memref_slice %arg6[%dma_start3A_105, %dma_start3A_106] : memref<4096x16xf32, #tpu.memory_space<vmem>> -> memref<128x16xf32, #tpu.memory_space<vmem>>
    %dma_start3A_108 = arith.constant 0 : i32
    %dma_start3A_109 = tpu.memref_slice %arg5[%dma_start3A_104, %dma_start3A_108] : memref<32x128xi32, #tpu.memory_space<vmem>> -> memref<1x128xi32, #tpu.memory_space<vmem>>
    %dma_start3A_110 = tpu.memref_squeeze %dma_start3A_109 : memref<1x128xi32, #tpu.memory_space<vmem>> -> memref<128xi32, #tpu.memory_space<vmem>>
    %dma_start3A_111 = arith.constant 0 : i32
    %dma_start3A_112 = arith.constant 0 : i32
    %dma_start3A_113 = tpu.memref_slice %arg2[%dma_start3A_111, %dma_start3A_112] : memref<16384x16xf32, #tpu.memory_space<hbm>> -> memref<16384x16xf32, #tpu.memory_space<hbm>>
    tpu.enqueue_indirect_dma source(%dma_start3A_113 : memref<16384x16xf32, #tpu.memory_space<hbm>>) target(%dma_start3A_107 : memref<128x16xf32, #tpu.memory_space<vmem>>) offsets(%dma_start3A_110 : memref<128xi32, #tpu.memory_space<vmem>>) semaphore(%arg8 : memref<!tpu.dma_semaphore, #tpu.memory_space<semaphore_mem>>)
    %dma_start3A_114 = arith.constant 11 : i32
    %dma_start3A_115 = arith.constant 1408 : i32
    %dma_start3A_116 = arith.constant 0 : i32
    %dma_start3A_117 = tpu.memref_slice %arg6[%dma_start3A_115, %dma_start3A_116] : memref<4096x16xf32, #tpu.memory_space<vmem>> -> memref<128x16xf32, #tpu.memory_space<vmem>>
    %dma_start3A_118 = arith.constant 0 : i32
    %dma_start3A_119 = tpu.memref_slice %arg5[%dma_start3A_114, %dma_start3A_118] : memref<32x128xi32, #tpu.memory_space<vmem>> -> memref<1x128xi32, #tpu.memory_space<vmem>>
    %dma_start3A_120 = tpu.memref_squeeze %dma_start3A_119 : memref<1x128xi32, #tpu.memory_space<vmem>> -> memref<128xi32, #tpu.memory_space<vmem>>
    %dma_start3A_121 = arith.constant 0 : i32
    %dma_start3A_122 = arith.constant 0 : i32
    %dma_start3A_123 = tpu.memref_slice %arg2[%dma_start3A_121, %dma_start3A_122] : memref<16384x16xf32, #tpu.memory_space<hbm>> -> memref<16384x16xf32, #tpu.memory_space<hbm>>
    tpu.enqueue_indirect_dma source(%dma_start3A_123 : memref<16384x16xf32, #tpu.memory_space<hbm>>) target(%dma_start3A_117 : memref<128x16xf32, #tpu.memory_space<vmem>>) offsets(%dma_start3A_120 : memref<128xi32, #tpu.memory_space<vmem>>) semaphore(%arg8 : memref<!tpu.dma_semaphore, #tpu.memory_space<semaphore_mem>>)
    %dma_start3A_124 = arith.constant 12 : i32
    %dma_start3A_125 = arith.constant 1536 : i32
    %dma_start3A_126 = arith.constant 0 : i32
    %dma_start3A_127 = tpu.memref_slice %arg6[%dma_start3A_125, %dma_start3A_126] : memref<4096x16xf32, #tpu.memory_space<vmem>> -> memref<128x16xf32, #tpu.memory_space<vmem>>
    %dma_start3A_128 = arith.constant 0 : i32
    %dma_start3A_129 = tpu.memref_slice %arg5[%dma_start3A_124, %dma_start3A_128] : memref<32x128xi32, #tpu.memory_space<vmem>> -> memref<1x128xi32, #tpu.memory_space<vmem>>
    %dma_start3A_130 = tpu.memref_squeeze %dma_start3A_129 : memref<1x128xi32, #tpu.memory_space<vmem>> -> memref<128xi32, #tpu.memory_space<vmem>>
    %dma_start3A_131 = arith.constant 0 : i32
    %dma_start3A_132 = arith.constant 0 : i32
    %dma_start3A_133 = tpu.memref_slice %arg2[%dma_start3A_131, %dma_start3A_132] : memref<16384x16xf32, #tpu.memory_space<hbm>> -> memref<16384x16xf32, #tpu.memory_space<hbm>>
    tpu.enqueue_indirect_dma source(%dma_start3A_133 : memref<16384x16xf32, #tpu.memory_space<hbm>>) target(%dma_start3A_127 : memref<128x16xf32, #tpu.memory_space<vmem>>) offsets(%dma_start3A_130 : memref<128xi32, #tpu.memory_space<vmem>>) semaphore(%arg8 : memref<!tpu.dma_semaphore, #tpu.memory_space<semaphore_mem>>)
    %dma_start3A_134 = arith.constant 13 : i32
    %dma_start3A_135 = arith.constant 1664 : i32
    %dma_start3A_136 = arith.constant 0 : i32
    %dma_start3A_137 = tpu.memref_slice %arg6[%dma_start3A_135, %dma_start3A_136] : memref<4096x16xf32, #tpu.memory_space<vmem>> -> memref<128x16xf32, #tpu.memory_space<vmem>>
    %dma_start3A_138 = arith.constant 0 : i32
    %dma_start3A_139 = tpu.memref_slice %arg5[%dma_start3A_134, %dma_start3A_138] : memref<32x128xi32, #tpu.memory_space<vmem>> -> memref<1x128xi32, #tpu.memory_space<vmem>>
    %dma_start3A_140 = tpu.memref_squeeze %dma_start3A_139 : memref<1x128xi32, #tpu.memory_space<vmem>> -> memref<128xi32, #tpu.memory_space<vmem>>
    %dma_start3A_141 = arith.constant 0 : i32
    %dma_start3A_142 = arith.constant 0 : i32
    %dma_start3A_143 = tpu.memref_slice %arg2[%dma_start3A_141, %dma_start3A_142] : memref<16384x16xf32, #tpu.memory_space<hbm>> -> memref<16384x16xf32, #tpu.memory_space<hbm>>
    tpu.enqueue_indirect_dma source(%dma_start3A_143 : memref<16384x16xf32, #tpu.memory_space<hbm>>) target(%dma_start3A_137 : memref<128x16xf32, #tpu.memory_space<vmem>>) offsets(%dma_start3A_140 : memref<128xi32, #tpu.memory_space<vmem>>) semaphore(%arg8 : memref<!tpu.dma_semaphore, #tpu.memory_space<semaphore_mem>>)
    %dma_start3A_144 = arith.constant 14 : i32
    %dma_start3A_145 = arith.constant 1792 : i32
    %dma_start3A_146 = arith.constant 0 : i32
    %dma_start3A_147 = tpu.memref_slice %arg6[%dma_start3A_145, %dma_start3A_146] : memref<4096x16xf32, #tpu.memory_space<vmem>> -> memref<128x16xf32, #tpu.memory_space<vmem>>
    %dma_start3A_148 = arith.constant 0 : i32
    %dma_start3A_149 = tpu.memref_slice %arg5[%dma_start3A_144, %dma_start3A_148] : memref<32x128xi32, #tpu.memory_space<vmem>> -> memref<1x128xi32, #tpu.memory_space<vmem>>
    %dma_start3A_150 = tpu.memref_squeeze %dma_start3A_149 : memref<1x128xi32, #tpu.memory_space<vmem>> -> memref<128xi32, #tpu.memory_space<vmem>>
    %dma_start3A_151 = arith.constant 0 : i32
    %dma_start3A_152 = arith.constant 0 : i32
    %dma_start3A_153 = tpu.memref_slice %arg2[%dma_start3A_151, %dma_start3A_152] : memref<16384x16xf32, #tpu.memory_space<hbm>> -> memref<16384x16xf32, #tpu.memory_space<hbm>>
    tpu.enqueue_indirect_dma source(%dma_start3A_153 : memref<16384x16xf32, #tpu.memory_space<hbm>>) target(%dma_start3A_147 : memref<128x16xf32, #tpu.memory_space<vmem>>) offsets(%dma_start3A_150 : memref<128xi32, #tpu.memory_space<vmem>>) semaphore(%arg8 : memref<!tpu.dma_semaphore, #tpu.memory_space<semaphore_mem>>)
    %dma_start3A_154 = arith.constant 15 : i32
    %dma_start3A_155 = arith.constant 1920 : i32
    %dma_start3A_156 = arith.constant 0 : i32
    %dma_start3A_157 = tpu.memref_slice %arg6[%dma_start3A_155, %dma_start3A_156] : memref<4096x16xf32, #tpu.memory_space<vmem>> -> memref<128x16xf32, #tpu.memory_space<vmem>>
    %dma_start3A_158 = arith.constant 0 : i32
    %dma_start3A_159 = tpu.memref_slice %arg5[%dma_start3A_154, %dma_start3A_158] : memref<32x128xi32, #tpu.memory_space<vmem>> -> memref<1x128xi32, #tpu.memory_space<vmem>>
    %dma_start3A_160 = tpu.memref_squeeze %dma_start3A_159 : memref<1x128xi32, #tpu.memory_space<vmem>> -> memref<128xi32, #tpu.memory_space<vmem>>
    %dma_start3A_161 = arith.constant 0 : i32
    %dma_start3A_162 = arith.constant 0 : i32
    %dma_start3A_163 = tpu.memref_slice %arg2[%dma_start3A_161, %dma_start3A_162] : memref<16384x16xf32, #tpu.memory_space<hbm>> -> memref<16384x16xf32, #tpu.memory_space<hbm>>
    tpu.enqueue_indirect_dma source(%dma_start3A_163 : memref<16384x16xf32, #tpu.memory_space<hbm>>) target(%dma_start3A_157 : memref<128x16xf32, #tpu.memory_space<vmem>>) offsets(%dma_start3A_160 : memref<128xi32, #tpu.memory_space<vmem>>) semaphore(%arg8 : memref<!tpu.dma_semaphore, #tpu.memory_space<semaphore_mem>>)
    %dma_start3A_164 = arith.constant 16 : i32
    %dma_start3A_165 = arith.constant 2048 : i32
    %dma_start3A_166 = arith.constant 0 : i32
    %dma_start3A_167 = tpu.memref_slice %arg6[%dma_start3A_165, %dma_start3A_166] : memref<4096x16xf32, #tpu.memory_space<vmem>> -> memref<128x16xf32, #tpu.memory_space<vmem>>
    %dma_start3A_168 = arith.constant 0 : i32
    %dma_start3A_169 = tpu.memref_slice %arg5[%dma_start3A_164, %dma_start3A_168] : memref<32x128xi32, #tpu.memory_space<vmem>> -> memref<1x128xi32, #tpu.memory_space<vmem>>
    %dma_start3A_170 = tpu.memref_squeeze %dma_start3A_169 : memref<1x128xi32, #tpu.memory_space<vmem>> -> memref<128xi32, #tpu.memory_space<vmem>>
    %dma_start3A_171 = arith.constant 0 : i32
    %dma_start3A_172 = arith.constant 0 : i32
    %dma_start3A_173 = tpu.memref_slice %arg2[%dma_start3A_171, %dma_start3A_172] : memref<16384x16xf32, #tpu.memory_space<hbm>> -> memref<16384x16xf32, #tpu.memory_space<hbm>>
    tpu.enqueue_indirect_dma source(%dma_start3A_173 : memref<16384x16xf32, #tpu.memory_space<hbm>>) target(%dma_start3A_167 : memref<128x16xf32, #tpu.memory_space<vmem>>) offsets(%dma_start3A_170 : memref<128xi32, #tpu.memory_space<vmem>>) semaphore(%arg8 : memref<!tpu.dma_semaphore, #tpu.memory_space<semaphore_mem>>)
    %dma_start3A_174 = arith.constant 17 : i32
    %dma_start3A_175 = arith.constant 2176 : i32
    %dma_start3A_176 = arith.constant 0 : i32
    %dma_start3A_177 = tpu.memref_slice %arg6[%dma_start3A_175, %dma_start3A_176] : memref<4096x16xf32, #tpu.memory_space<vmem>> -> memref<128x16xf32, #tpu.memory_space<vmem>>
    %dma_start3A_178 = arith.constant 0 : i32
    %dma_start3A_179 = tpu.memref_slice %arg5[%dma_start3A_174, %dma_start3A_178] : memref<32x128xi32, #tpu.memory_space<vmem>> -> memref<1x128xi32, #tpu.memory_space<vmem>>
    %dma_start3A_180 = tpu.memref_squeeze %dma_start3A_179 : memref<1x128xi32, #tpu.memory_space<vmem>> -> memref<128xi32, #tpu.memory_space<vmem>>
    %dma_start3A_181 = arith.constant 0 : i32
    %dma_start3A_182 = arith.constant 0 : i32
    %dma_start3A_183 = tpu.memref_slice %arg2[%dma_start3A_181, %dma_start3A_182] : memref<16384x16xf32, #tpu.memory_space<hbm>> -> memref<16384x16xf32, #tpu.memory_space<hbm>>
    tpu.enqueue_indirect_dma source(%dma_start3A_183 : memref<16384x16xf32, #tpu.memory_space<hbm>>) target(%dma_start3A_177 : memref<128x16xf32, #tpu.memory_space<vmem>>) offsets(%dma_start3A_180 : memref<128xi32, #tpu.memory_space<vmem>>) semaphore(%arg8 : memref<!tpu.dma_semaphore, #tpu.memory_space<semaphore_mem>>)
    %dma_start3A_184 = arith.constant 18 : i32
    %dma_start3A_185 = arith.constant 2304 : i32
    %dma_start3A_186 = arith.constant 0 : i32
    %dma_start3A_187 = tpu.memref_slice %arg6[%dma_start3A_185, %dma_start3A_186] : memref<4096x16xf32, #tpu.memory_space<vmem>> -> memref<128x16xf32, #tpu.memory_space<vmem>>
    %dma_start3A_188 = arith.constant 0 : i32
    %dma_start3A_189 = tpu.memref_slice %arg5[%dma_start3A_184, %dma_start3A_188] : memref<32x128xi32, #tpu.memory_space<vmem>> -> memref<1x128xi32, #tpu.memory_space<vmem>>
    %dma_start3A_190 = tpu.memref_squeeze %dma_start3A_189 : memref<1x128xi32, #tpu.memory_space<vmem>> -> memref<128xi32, #tpu.memory_space<vmem>>
    %dma_start3A_191 = arith.constant 0 : i32
    %dma_start3A_192 = arith.constant 0 : i32
    %dma_start3A_193 = tpu.memref_slice %arg2[%dma_start3A_191, %dma_start3A_192] : memref<16384x16xf32, #tpu.memory_space<hbm>> -> memref<16384x16xf32, #tpu.memory_space<hbm>>
    tpu.enqueue_indirect_dma source(%dma_start3A_193 : memref<16384x16xf32, #tpu.memory_space<hbm>>) target(%dma_start3A_187 : memref<128x16xf32, #tpu.memory_space<vmem>>) offsets(%dma_start3A_190 : memref<128xi32, #tpu.memory_space<vmem>>) semaphore(%arg8 : memref<!tpu.dma_semaphore, #tpu.memory_space<semaphore_mem>>)
    %dma_start3A_194 = arith.constant 19 : i32
    %dma_start3A_195 = arith.constant 2432 : i32
    %dma_start3A_196 = arith.constant 0 : i32
    %dma_start3A_197 = tpu.memref_slice %arg6[%dma_start3A_195, %dma_start3A_196] : memref<4096x16xf32, #tpu.memory_space<vmem>> -> memref<128x16xf32, #tpu.memory_space<vmem>>
    %dma_start3A_198 = arith.constant 0 : i32
    %dma_start3A_199 = tpu.memref_slice %arg5[%dma_start3A_194, %dma_start3A_198] : memref<32x128xi32, #tpu.memory_space<vmem>> -> memref<1x128xi32, #tpu.memory_space<vmem>>
    %dma_start3A_200 = tpu.memref_squeeze %dma_start3A_199 : memref<1x128xi32, #tpu.memory_space<vmem>> -> memref<128xi32, #tpu.memory_space<vmem>>
    %dma_start3A_201 = arith.constant 0 : i32
    %dma_start3A_202 = arith.constant 0 : i32
    %dma_start3A_203 = tpu.memref_slice %arg2[%dma_start3A_201, %dma_start3A_202] : memref<16384x16xf32, #tpu.memory_space<hbm>> -> memref<16384x16xf32, #tpu.memory_space<hbm>>
    tpu.enqueue_indirect_dma source(%dma_start3A_203 : memref<16384x16xf32, #tpu.memory_space<hbm>>) target(%dma_start3A_197 : memref<128x16xf32, #tpu.memory_space<vmem>>) offsets(%dma_start3A_200 : memref<128xi32, #tpu.memory_space<vmem>>) semaphore(%arg8 : memref<!tpu.dma_semaphore, #tpu.memory_space<semaphore_mem>>)
    %dma_start3A_204 = arith.constant 20 : i32
    %dma_start3A_205 = arith.constant 2560 : i32
    %dma_start3A_206 = arith.constant 0 : i32
    %dma_start3A_207 = tpu.memref_slice %arg6[%dma_start3A_205, %dma_start3A_206] : memref<4096x16xf32, #tpu.memory_space<vmem>> -> memref<128x16xf32, #tpu.memory_space<vmem>>
    %dma_start3A_208 = arith.constant 0 : i32
    %dma_start3A_209 = tpu.memref_slice %arg5[%dma_start3A_204, %dma_start3A_208] : memref<32x128xi32, #tpu.memory_space<vmem>> -> memref<1x128xi32, #tpu.memory_space<vmem>>
    %dma_start3A_210 = tpu.memref_squeeze %dma_start3A_209 : memref<1x128xi32, #tpu.memory_space<vmem>> -> memref<128xi32, #tpu.memory_space<vmem>>
    %dma_start3A_211 = arith.constant 0 : i32
    %dma_start3A_212 = arith.constant 0 : i32
    %dma_start3A_213 = tpu.memref_slice %arg2[%dma_start3A_211, %dma_start3A_212] : memref<16384x16xf32, #tpu.memory_space<hbm>> -> memref<16384x16xf32, #tpu.memory_space<hbm>>
    tpu.enqueue_indirect_dma source(%dma_start3A_213 : memref<16384x16xf32, #tpu.memory_space<hbm>>) target(%dma_start3A_207 : memref<128x16xf32, #tpu.memory_space<vmem>>) offsets(%dma_start3A_210 : memref<128xi32, #tpu.memory_space<vmem>>) semaphore(%arg8 : memref<!tpu.dma_semaphore, #tpu.memory_space<semaphore_mem>>)
    %dma_start3A_214 = arith.constant 21 : i32
    %dma_start3A_215 = arith.constant 2688 : i32
    %dma_start3A_216 = arith.constant 0 : i32
    %dma_start3A_217 = tpu.memref_slice %arg6[%dma_start3A_215, %dma_start3A_216] : memref<4096x16xf32, #tpu.memory_space<vmem>> -> memref<128x16xf32, #tpu.memory_space<vmem>>
    %dma_start3A_218 = arith.constant 0 : i32
    %dma_start3A_219 = tpu.memref_slice %arg5[%dma_start3A_214, %dma_start3A_218] : memref<32x128xi32, #tpu.memory_space<vmem>> -> memref<1x128xi32, #tpu.memory_space<vmem>>
    %dma_start3A_220 = tpu.memref_squeeze %dma_start3A_219 : memref<1x128xi32, #tpu.memory_space<vmem>> -> memref<128xi32, #tpu.memory_space<vmem>>
    %dma_start3A_221 = arith.constant 0 : i32
    %dma_start3A_222 = arith.constant 0 : i32
    %dma_start3A_223 = tpu.memref_slice %arg2[%dma_start3A_221, %dma_start3A_222] : memref<16384x16xf32, #tpu.memory_space<hbm>> -> memref<16384x16xf32, #tpu.memory_space<hbm>>
    tpu.enqueue_indirect_dma source(%dma_start3A_223 : memref<16384x16xf32, #tpu.memory_space<hbm>>) target(%dma_start3A_217 : memref<128x16xf32, #tpu.memory_space<vmem>>) offsets(%dma_start3A_220 : memref<128xi32, #tpu.memory_space<vmem>>) semaphore(%arg8 : memref<!tpu.dma_semaphore, #tpu.memory_space<semaphore_mem>>)
    %dma_start3A_224 = arith.constant 22 : i32
    %dma_start3A_225 = arith.constant 2816 : i32
    %dma_start3A_226 = arith.constant 0 : i32
    %dma_start3A_227 = tpu.memref_slice %arg6[%dma_start3A_225, %dma_start3A_226] : memref<4096x16xf32, #tpu.memory_space<vmem>> -> memref<128x16xf32, #tpu.memory_space<vmem>>
    %dma_start3A_228 = arith.constant 0 : i32
    %dma_start3A_229 = tpu.memref_slice %arg5[%dma_start3A_224, %dma_start3A_228] : memref<32x128xi32, #tpu.memory_space<vmem>> -> memref<1x128xi32, #tpu.memory_space<vmem>>
    %dma_start3A_230 = tpu.memref_squeeze %dma_start3A_229 : memref<1x128xi32, #tpu.memory_space<vmem>> -> memref<128xi32, #tpu.memory_space<vmem>>
    %dma_start3A_231 = arith.constant 0 : i32
    %dma_start3A_232 = arith.constant 0 : i32
    %dma_start3A_233 = tpu.memref_slice %arg2[%dma_start3A_231, %dma_start3A_232] : memref<16384x16xf32, #tpu.memory_space<hbm>> -> memref<16384x16xf32, #tpu.memory_space<hbm>>
    tpu.enqueue_indirect_dma source(%dma_start3A_233 : memref<16384x16xf32, #tpu.memory_space<hbm>>) target(%dma_start3A_227 : memref<128x16xf32, #tpu.memory_space<vmem>>) offsets(%dma_start3A_230 : memref<128xi32, #tpu.memory_space<vmem>>) semaphore(%arg8 : memref<!tpu.dma_semaphore, #tpu.memory_space<semaphore_mem>>)
    %dma_start3A_234 = arith.constant 23 : i32
    %dma_start3A_235 = arith.constant 2944 : i32
    %dma_start3A_236 = arith.constant 0 : i32
    %dma_start3A_237 = tpu.memref_slice %arg6[%dma_start3A_235, %dma_start3A_236] : memref<4096x16xf32, #tpu.memory_space<vmem>> -> memref<128x16xf32, #tpu.memory_space<vmem>>
    %dma_start3A_238 = arith.constant 0 : i32
    %dma_start3A_239 = tpu.memref_slice %arg5[%dma_start3A_234, %dma_start3A_238] : memref<32x128xi32, #tpu.memory_space<vmem>> -> memref<1x128xi32, #tpu.memory_space<vmem>>
    %dma_start3A_240 = tpu.memref_squeeze %dma_start3A_239 : memref<1x128xi32, #tpu.memory_space<vmem>> -> memref<128xi32, #tpu.memory_space<vmem>>
    %dma_start3A_241 = arith.constant 0 : i32
    %dma_start3A_242 = arith.constant 0 : i32
    %dma_start3A_243 = tpu.memref_slice %arg2[%dma_start3A_241, %dma_start3A_242] : memref<16384x16xf32, #tpu.memory_space<hbm>> -> memref<16384x16xf32, #tpu.memory_space<hbm>>
    tpu.enqueue_indirect_dma source(%dma_start3A_243 : memref<16384x16xf32, #tpu.memory_space<hbm>>) target(%dma_start3A_237 : memref<128x16xf32, #tpu.memory_space<vmem>>) offsets(%dma_start3A_240 : memref<128xi32, #tpu.memory_space<vmem>>) semaphore(%arg8 : memref<!tpu.dma_semaphore, #tpu.memory_space<semaphore_mem>>)
    %dma_start3A_244 = arith.constant 24 : i32
    %dma_start3A_245 = arith.constant 3072 : i32
    %dma_start3A_246 = arith.constant 0 : i32
    %dma_start3A_247 = tpu.memref_slice %arg6[%dma_start3A_245, %dma_start3A_246] : memref<4096x16xf32, #tpu.memory_space<vmem>> -> memref<128x16xf32, #tpu.memory_space<vmem>>
    %dma_start3A_248 = arith.constant 0 : i32
    %dma_start3A_249 = tpu.memref_slice %arg5[%dma_start3A_244, %dma_start3A_248] : memref<32x128xi32, #tpu.memory_space<vmem>> -> memref<1x128xi32, #tpu.memory_space<vmem>>
    %dma_start3A_250 = tpu.memref_squeeze %dma_start3A_249 : memref<1x128xi32, #tpu.memory_space<vmem>> -> memref<128xi32, #tpu.memory_space<vmem>>
    %dma_start3A_251 = arith.constant 0 : i32
    %dma_start3A_252 = arith.constant 0 : i32
    %dma_start3A_253 = tpu.memref_slice %arg2[%dma_start3A_251, %dma_start3A_252] : memref<16384x16xf32, #tpu.memory_space<hbm>> -> memref<16384x16xf32, #tpu.memory_space<hbm>>
    tpu.enqueue_indirect_dma source(%dma_start3A_253 : memref<16384x16xf32, #tpu.memory_space<hbm>>) target(%dma_start3A_247 : memref<128x16xf32, #tpu.memory_space<vmem>>) offsets(%dma_start3A_250 : memref<128xi32, #tpu.memory_space<vmem>>) semaphore(%arg8 : memref<!tpu.dma_semaphore, #tpu.memory_space<semaphore_mem>>)
    %dma_start3A_254 = arith.constant 25 : i32
    %dma_start3A_255 = arith.constant 3200 : i32
    %dma_start3A_256 = arith.constant 0 : i32
    %dma_start3A_257 = tpu.memref_slice %arg6[%dma_start3A_255, %dma_start3A_256] : memref<4096x16xf32, #tpu.memory_space<vmem>> -> memref<128x16xf32, #tpu.memory_space<vmem>>
    %dma_start3A_258 = arith.constant 0 : i32
    %dma_start3A_259 = tpu.memref_slice %arg5[%dma_start3A_254, %dma_start3A_258] : memref<32x128xi32, #tpu.memory_space<vmem>> -> memref<1x128xi32, #tpu.memory_space<vmem>>
    %dma_start3A_260 = tpu.memref_squeeze %dma_start3A_259 : memref<1x128xi32, #tpu.memory_space<vmem>> -> memref<128xi32, #tpu.memory_space<vmem>>
    %dma_start3A_261 = arith.constant 0 : i32
    %dma_start3A_262 = arith.constant 0 : i32
    %dma_start3A_263 = tpu.memref_slice %arg2[%dma_start3A_261, %dma_start3A_262] : memref<16384x16xf32, #tpu.memory_space<hbm>> -> memref<16384x16xf32, #tpu.memory_space<hbm>>
    tpu.enqueue_indirect_dma source(%dma_start3A_263 : memref<16384x16xf32, #tpu.memory_space<hbm>>) target(%dma_start3A_257 : memref<128x16xf32, #tpu.memory_space<vmem>>) offsets(%dma_start3A_260 : memref<128xi32, #tpu.memory_space<vmem>>) semaphore(%arg8 : memref<!tpu.dma_semaphore, #tpu.memory_space<semaphore_mem>>)
    %dma_start3A_264 = arith.constant 26 : i32
    %dma_start3A_265 = arith.constant 3328 : i32
    %dma_start3A_266 = arith.constant 0 : i32
    %dma_start3A_267 = tpu.memref_slice %arg6[%dma_start3A_265, %dma_start3A_266] : memref<4096x16xf32, #tpu.memory_space<vmem>> -> memref<128x16xf32, #tpu.memory_space<vmem>>
    %dma_start3A_268 = arith.constant 0 : i32
    %dma_start3A_269 = tpu.memref_slice %arg5[%dma_start3A_264, %dma_start3A_268] : memref<32x128xi32, #tpu.memory_space<vmem>> -> memref<1x128xi32, #tpu.memory_space<vmem>>
    %dma_start3A_270 = tpu.memref_squeeze %dma_start3A_269 : memref<1x128xi32, #tpu.memory_space<vmem>> -> memref<128xi32, #tpu.memory_space<vmem>>
    %dma_start3A_271 = arith.constant 0 : i32
    %dma_start3A_272 = arith.constant 0 : i32
    %dma_start3A_273 = tpu.memref_slice %arg2[%dma_start3A_271, %dma_start3A_272] : memref<16384x16xf32, #tpu.memory_space<hbm>> -> memref<16384x16xf32, #tpu.memory_space<hbm>>
    tpu.enqueue_indirect_dma source(%dma_start3A_273 : memref<16384x16xf32, #tpu.memory_space<hbm>>) target(%dma_start3A_267 : memref<128x16xf32, #tpu.memory_space<vmem>>) offsets(%dma_start3A_270 : memref<128xi32, #tpu.memory_space<vmem>>) semaphore(%arg8 : memref<!tpu.dma_semaphore, #tpu.memory_space<semaphore_mem>>)
    %dma_start3A_274 = arith.constant 27 : i32
    %dma_start3A_275 = arith.constant 3456 : i32
    %dma_start3A_276 = arith.constant 0 : i32
    %dma_start3A_277 = tpu.memref_slice %arg6[%dma_start3A_275, %dma_start3A_276] : memref<4096x16xf32, #tpu.memory_space<vmem>> -> memref<128x16xf32, #tpu.memory_space<vmem>>
    %dma_start3A_278 = arith.constant 0 : i32
    %dma_start3A_279 = tpu.memref_slice %arg5[%dma_start3A_274, %dma_start3A_278] : memref<32x128xi32, #tpu.memory_space<vmem>> -> memref<1x128xi32, #tpu.memory_space<vmem>>
    %dma_start3A_280 = tpu.memref_squeeze %dma_start3A_279 : memref<1x128xi32, #tpu.memory_space<vmem>> -> memref<128xi32, #tpu.memory_space<vmem>>
    %dma_start3A_281 = arith.constant 0 : i32
    %dma_start3A_282 = arith.constant 0 : i32
    %dma_start3A_283 = tpu.memref_slice %arg2[%dma_start3A_281, %dma_start3A_282] : memref<16384x16xf32, #tpu.memory_space<hbm>> -> memref<16384x16xf32, #tpu.memory_space<hbm>>
    tpu.enqueue_indirect_dma source(%dma_start3A_283 : memref<16384x16xf32, #tpu.memory_space<hbm>>) target(%dma_start3A_277 : memref<128x16xf32, #tpu.memory_space<vmem>>) offsets(%dma_start3A_280 : memref<128xi32, #tpu.memory_space<vmem>>) semaphore(%arg8 : memref<!tpu.dma_semaphore, #tpu.memory_space<semaphore_mem>>)
    %dma_start3A_284 = arith.constant 28 : i32
    %dma_start3A_285 = arith.constant 3584 : i32
    %dma_start3A_286 = arith.constant 0 : i32
    %dma_start3A_287 = tpu.memref_slice %arg6[%dma_start3A_285, %dma_start3A_286] : memref<4096x16xf32, #tpu.memory_space<vmem>> -> memref<128x16xf32, #tpu.memory_space<vmem>>
    %dma_start3A_288 = arith.constant 0 : i32
    %dma_start3A_289 = tpu.memref_slice %arg5[%dma_start3A_284, %dma_start3A_288] : memref<32x128xi32, #tpu.memory_space<vmem>> -> memref<1x128xi32, #tpu.memory_space<vmem>>
    %dma_start3A_290 = tpu.memref_squeeze %dma_start3A_289 : memref<1x128xi32, #tpu.memory_space<vmem>> -> memref<128xi32, #tpu.memory_space<vmem>>
    %dma_start3A_291 = arith.constant 0 : i32
    %dma_start3A_292 = arith.constant 0 : i32
    %dma_start3A_293 = tpu.memref_slice %arg2[%dma_start3A_291, %dma_start3A_292] : memref<16384x16xf32, #tpu.memory_space<hbm>> -> memref<16384x16xf32, #tpu.memory_space<hbm>>
    tpu.enqueue_indirect_dma source(%dma_start3A_293 : memref<16384x16xf32, #tpu.memory_space<hbm>>) target(%dma_start3A_287 : memref<128x16xf32, #tpu.memory_space<vmem>>) offsets(%dma_start3A_290 : memref<128xi32, #tpu.memory_space<vmem>>) semaphore(%arg8 : memref<!tpu.dma_semaphore, #tpu.memory_space<semaphore_mem>>)
    %dma_start3A_294 = arith.constant 29 : i32
    %dma_start3A_295 = arith.constant 3712 : i32
    %dma_start3A_296 = arith.constant 0 : i32
    %dma_start3A_297 = tpu.memref_slice %arg6[%dma_start3A_295, %dma_start3A_296] : memref<4096x16xf32, #tpu.memory_space<vmem>> -> memref<128x16xf32, #tpu.memory_space<vmem>>
    %dma_start3A_298 = arith.constant 0 : i32
    %dma_start3A_299 = tpu.memref_slice %arg5[%dma_start3A_294, %dma_start3A_298] : memref<32x128xi32, #tpu.memory_space<vmem>> -> memref<1x128xi32, #tpu.memory_space<vmem>>
    %dma_start3A_300 = tpu.memref_squeeze %dma_start3A_299 : memref<1x128xi32, #tpu.memory_space<vmem>> -> memref<128xi32, #tpu.memory_space<vmem>>
    %dma_start3A_301 = arith.constant 0 : i32
    %dma_start3A_302 = arith.constant 0 : i32
    %dma_start3A_303 = tpu.memref_slice %arg2[%dma_start3A_301, %dma_start3A_302] : memref<16384x16xf32, #tpu.memory_space<hbm>> -> memref<16384x16xf32, #tpu.memory_space<hbm>>
    tpu.enqueue_indirect_dma source(%dma_start3A_303 : memref<16384x16xf32, #tpu.memory_space<hbm>>) target(%dma_start3A_297 : memref<128x16xf32, #tpu.memory_space<vmem>>) offsets(%dma_start3A_300 : memref<128xi32, #tpu.memory_space<vmem>>) semaphore(%arg8 : memref<!tpu.dma_semaphore, #tpu.memory_space<semaphore_mem>>)
    %dma_start3A_304 = arith.constant 30 : i32
    %dma_start3A_305 = arith.constant 3840 : i32
    %dma_start3A_306 = arith.constant 0 : i32
    %dma_start3A_307 = tpu.memref_slice %arg6[%dma_start3A_305, %dma_start3A_306] : memref<4096x16xf32, #tpu.memory_space<vmem>> -> memref<128x16xf32, #tpu.memory_space<vmem>>
    %dma_start3A_308 = arith.constant 0 : i32
    %dma_start3A_309 = tpu.memref_slice %arg5[%dma_start3A_304, %dma_start3A_308] : memref<32x128xi32, #tpu.memory_space<vmem>> -> memref<1x128xi32, #tpu.memory_space<vmem>>
    %dma_start3A_310 = tpu.memref_squeeze %dma_start3A_309 : memref<1x128xi32, #tpu.memory_space<vmem>> -> memref<128xi32, #tpu.memory_space<vmem>>
    %dma_start3A_311 = arith.constant 0 : i32
    %dma_start3A_312 = arith.constant 0 : i32
    %dma_start3A_313 = tpu.memref_slice %arg2[%dma_start3A_311, %dma_start3A_312] : memref<16384x16xf32, #tpu.memory_space<hbm>> -> memref<16384x16xf32, #tpu.memory_space<hbm>>
    tpu.enqueue_indirect_dma source(%dma_start3A_313 : memref<16384x16xf32, #tpu.memory_space<hbm>>) target(%dma_start3A_307 : memref<128x16xf32, #tpu.memory_space<vmem>>) offsets(%dma_start3A_310 : memref<128xi32, #tpu.memory_space<vmem>>) semaphore(%arg8 : memref<!tpu.dma_semaphore, #tpu.memory_space<semaphore_mem>>)
    %dma_start3A_314 = arith.constant 31 : i32
    %dma_start3A_315 = arith.constant 3968 : i32
    %dma_start3A_316 = arith.constant 0 : i32
    %dma_start3A_317 = tpu.memref_slice %arg6[%dma_start3A_315, %dma_start3A_316] : memref<4096x16xf32, #tpu.memory_space<vmem>> -> memref<128x16xf32, #tpu.memory_space<vmem>>
    %dma_start3A_318 = arith.constant 0 : i32
    %dma_start3A_319 = tpu.memref_slice %arg5[%dma_start3A_314, %dma_start3A_318] : memref<32x128xi32, #tpu.memory_space<vmem>> -> memref<1x128xi32, #tpu.memory_space<vmem>>
    %dma_start3A_320 = tpu.memref_squeeze %dma_start3A_319 : memref<1x128xi32, #tpu.memory_space<vmem>> -> memref<128xi32, #tpu.memory_space<vmem>>
    %dma_start3A_321 = arith.constant 0 : i32
    %dma_start3A_322 = arith.constant 0 : i32
    %dma_start3A_323 = tpu.memref_slice %arg2[%dma_start3A_321, %dma_start3A_322] : memref<16384x16xf32, #tpu.memory_space<hbm>> -> memref<16384x16xf32, #tpu.memory_space<hbm>>
    tpu.enqueue_indirect_dma source(%dma_start3A_323 : memref<16384x16xf32, #tpu.memory_space<hbm>>) target(%dma_start3A_317 : memref<128x16xf32, #tpu.memory_space<vmem>>) offsets(%dma_start3A_320 : memref<128xi32, #tpu.memory_space<vmem>>) semaphore(%arg8 : memref<!tpu.dma_semaphore, #tpu.memory_space<semaphore_mem>>)
    %dma_wait3A = arith.constant 0 : i32
    %dma_wait3A_324 = arith.constant 0 : i32
    %dma_wait3A_325 = arith.constant 0 : i32
    %dma_wait3A_326 = tpu.memref_slice %arg6[%dma_wait3A_324, %dma_wait3A_325] : memref<4096x16xf32, #tpu.memory_space<vmem>> -> memref<128x16xf32, #tpu.memory_space<vmem>>
    %dma_wait3A_327 = arith.constant 0 : i32
    %dma_wait3A_328 = tpu.memref_slice %arg5[%dma_wait3A, %dma_wait3A_327] : memref<32x128xi32, #tpu.memory_space<vmem>> -> memref<1x128xi32, #tpu.memory_space<vmem>>
    %dma_wait3A_329 = tpu.memref_squeeze %dma_wait3A_328 : memref<1x128xi32, #tpu.memory_space<vmem>> -> memref<128xi32, #tpu.memory_space<vmem>>
    %dma_wait3A_330 = arith.constant 0 : i32
    %dma_wait3A_331 = arith.constant 0 : i32
    %dma_wait3A_332 = tpu.memref_slice %arg2[%dma_wait3A_330, %dma_wait3A_331] : memref<16384x16xf32, #tpu.memory_space<hbm>> -> memref<16384x16xf32, #tpu.memory_space<hbm>>
    tpu.wait_indirect_dma semaphore(%arg8 : memref<!tpu.dma_semaphore, #tpu.memory_space<semaphore_mem>>) src(%dma_wait3A_332 : memref<16384x16xf32, #tpu.memory_space<hbm>>) dst(%dma_wait3A_326 : memref<128x16xf32, #tpu.memory_space<vmem>>)
    %dma_wait3A_333 = arith.constant 1 : i32
    %dma_wait3A_334 = arith.constant 128 : i32
    %dma_wait3A_335 = arith.constant 0 : i32
    %dma_wait3A_336 = tpu.memref_slice %arg6[%dma_wait3A_334, %dma_wait3A_335] : memref<4096x16xf32, #tpu.memory_space<vmem>> -> memref<128x16xf32, #tpu.memory_space<vmem>>
    %dma_wait3A_337 = arith.constant 0 : i32
    %dma_wait3A_338 = tpu.memref_slice %arg5[%dma_wait3A_333, %dma_wait3A_337] : memref<32x128xi32, #tpu.memory_space<vmem>> -> memref<1x128xi32, #tpu.memory_space<vmem>>
    %dma_wait3A_339 = tpu.memref_squeeze %dma_wait3A_338 : memref<1x128xi32, #tpu.memory_space<vmem>> -> memref<128xi32, #tpu.memory_space<vmem>>
    %dma_wait3A_340 = arith.constant 0 : i32
    %dma_wait3A_341 = arith.constant 0 : i32
    %dma_wait3A_342 = tpu.memref_slice %arg2[%dma_wait3A_340, %dma_wait3A_341] : memref<16384x16xf32, #tpu.memory_space<hbm>> -> memref<16384x16xf32, #tpu.memory_space<hbm>>
    tpu.wait_indirect_dma semaphore(%arg8 : memref<!tpu.dma_semaphore, #tpu.memory_space<semaphore_mem>>) src(%dma_wait3A_342 : memref<16384x16xf32, #tpu.memory_space<hbm>>) dst(%dma_wait3A_336 : memref<128x16xf32, #tpu.memory_space<vmem>>)
    %dma_wait3A_343 = arith.constant 2 : i32
    %dma_wait3A_344 = arith.constant 256 : i32
    %dma_wait3A_345 = arith.constant 0 : i32
    %dma_wait3A_346 = tpu.memref_slice %arg6[%dma_wait3A_344, %dma_wait3A_345] : memref<4096x16xf32, #tpu.memory_space<vmem>> -> memref<128x16xf32, #tpu.memory_space<vmem>>
    %dma_wait3A_347 = arith.constant 0 : i32
    %dma_wait3A_348 = tpu.memref_slice %arg5[%dma_wait3A_343, %dma_wait3A_347] : memref<32x128xi32, #tpu.memory_space<vmem>> -> memref<1x128xi32, #tpu.memory_space<vmem>>
    %dma_wait3A_349 = tpu.memref_squeeze %dma_wait3A_348 : memref<1x128xi32, #tpu.memory_space<vmem>> -> memref<128xi32, #tpu.memory_space<vmem>>
    %dma_wait3A_350 = arith.constant 0 : i32
    %dma_wait3A_351 = arith.constant 0 : i32
    %dma_wait3A_352 = tpu.memref_slice %arg2[%dma_wait3A_350, %dma_wait3A_351] : memref<16384x16xf32, #tpu.memory_space<hbm>> -> memref<16384x16xf32, #tpu.memory_space<hbm>>
    tpu.wait_indirect_dma semaphore(%arg8 : memref<!tpu.dma_semaphore, #tpu.memory_space<semaphore_mem>>) src(%dma_wait3A_352 : memref<16384x16xf32, #tpu.memory_space<hbm>>) dst(%dma_wait3A_346 : memref<128x16xf32, #tpu.memory_space<vmem>>)
    %dma_wait3A_353 = arith.constant 3 : i32
    %dma_wait3A_354 = arith.constant 384 : i32
    %dma_wait3A_355 = arith.constant 0 : i32
    %dma_wait3A_356 = tpu.memref_slice %arg6[%dma_wait3A_354, %dma_wait3A_355] : memref<4096x16xf32, #tpu.memory_space<vmem>> -> memref<128x16xf32, #tpu.memory_space<vmem>>
    %dma_wait3A_357 = arith.constant 0 : i32
    %dma_wait3A_358 = tpu.memref_slice %arg5[%dma_wait3A_353, %dma_wait3A_357] : memref<32x128xi32, #tpu.memory_space<vmem>> -> memref<1x128xi32, #tpu.memory_space<vmem>>
    %dma_wait3A_359 = tpu.memref_squeeze %dma_wait3A_358 : memref<1x128xi32, #tpu.memory_space<vmem>> -> memref<128xi32, #tpu.memory_space<vmem>>
    %dma_wait3A_360 = arith.constant 0 : i32
    %dma_wait3A_361 = arith.constant 0 : i32
    %dma_wait3A_362 = tpu.memref_slice %arg2[%dma_wait3A_360, %dma_wait3A_361] : memref<16384x16xf32, #tpu.memory_space<hbm>> -> memref<16384x16xf32, #tpu.memory_space<hbm>>
    tpu.wait_indirect_dma semaphore(%arg8 : memref<!tpu.dma_semaphore, #tpu.memory_space<semaphore_mem>>) src(%dma_wait3A_362 : memref<16384x16xf32, #tpu.memory_space<hbm>>) dst(%dma_wait3A_356 : memref<128x16xf32, #tpu.memory_space<vmem>>)
    %dma_wait3A_363 = arith.constant 4 : i32
    %dma_wait3A_364 = arith.constant 512 : i32
    %dma_wait3A_365 = arith.constant 0 : i32
    %dma_wait3A_366 = tpu.memref_slice %arg6[%dma_wait3A_364, %dma_wait3A_365] : memref<4096x16xf32, #tpu.memory_space<vmem>> -> memref<128x16xf32, #tpu.memory_space<vmem>>
    %dma_wait3A_367 = arith.constant 0 : i32
    %dma_wait3A_368 = tpu.memref_slice %arg5[%dma_wait3A_363, %dma_wait3A_367] : memref<32x128xi32, #tpu.memory_space<vmem>> -> memref<1x128xi32, #tpu.memory_space<vmem>>
    %dma_wait3A_369 = tpu.memref_squeeze %dma_wait3A_368 : memref<1x128xi32, #tpu.memory_space<vmem>> -> memref<128xi32, #tpu.memory_space<vmem>>
    %dma_wait3A_370 = arith.constant 0 : i32
    %dma_wait3A_371 = arith.constant 0 : i32
    %dma_wait3A_372 = tpu.memref_slice %arg2[%dma_wait3A_370, %dma_wait3A_371] : memref<16384x16xf32, #tpu.memory_space<hbm>> -> memref<16384x16xf32, #tpu.memory_space<hbm>>
    tpu.wait_indirect_dma semaphore(%arg8 : memref<!tpu.dma_semaphore, #tpu.memory_space<semaphore_mem>>) src(%dma_wait3A_372 : memref<16384x16xf32, #tpu.memory_space<hbm>>) dst(%dma_wait3A_366 : memref<128x16xf32, #tpu.memory_space<vmem>>)
    %dma_wait3A_373 = arith.constant 5 : i32
    %dma_wait3A_374 = arith.constant 640 : i32
    %dma_wait3A_375 = arith.constant 0 : i32
    %dma_wait3A_376 = tpu.memref_slice %arg6[%dma_wait3A_374, %dma_wait3A_375] : memref<4096x16xf32, #tpu.memory_space<vmem>> -> memref<128x16xf32, #tpu.memory_space<vmem>>
    %dma_wait3A_377 = arith.constant 0 : i32
    %dma_wait3A_378 = tpu.memref_slice %arg5[%dma_wait3A_373, %dma_wait3A_377] : memref<32x128xi32, #tpu.memory_space<vmem>> -> memref<1x128xi32, #tpu.memory_space<vmem>>
    %dma_wait3A_379 = tpu.memref_squeeze %dma_wait3A_378 : memref<1x128xi32, #tpu.memory_space<vmem>> -> memref<128xi32, #tpu.memory_space<vmem>>
    %dma_wait3A_380 = arith.constant 0 : i32
    %dma_wait3A_381 = arith.constant 0 : i32
    %dma_wait3A_382 = tpu.memref_slice %arg2[%dma_wait3A_380, %dma_wait3A_381] : memref<16384x16xf32, #tpu.memory_space<hbm>> -> memref<16384x16xf32, #tpu.memory_space<hbm>>
    tpu.wait_indirect_dma semaphore(%arg8 : memref<!tpu.dma_semaphore, #tpu.memory_space<semaphore_mem>>) src(%dma_wait3A_382 : memref<16384x16xf32, #tpu.memory_space<hbm>>) dst(%dma_wait3A_376 : memref<128x16xf32, #tpu.memory_space<vmem>>)
    %dma_wait3A_383 = arith.constant 6 : i32
    %dma_wait3A_384 = arith.constant 768 : i32
    %dma_wait3A_385 = arith.constant 0 : i32
    %dma_wait3A_386 = tpu.memref_slice %arg6[%dma_wait3A_384, %dma_wait3A_385] : memref<4096x16xf32, #tpu.memory_space<vmem>> -> memref<128x16xf32, #tpu.memory_space<vmem>>
    %dma_wait3A_387 = arith.constant 0 : i32
    %dma_wait3A_388 = tpu.memref_slice %arg5[%dma_wait3A_383, %dma_wait3A_387] : memref<32x128xi32, #tpu.memory_space<vmem>> -> memref<1x128xi32, #tpu.memory_space<vmem>>
    %dma_wait3A_389 = tpu.memref_squeeze %dma_wait3A_388 : memref<1x128xi32, #tpu.memory_space<vmem>> -> memref<128xi32, #tpu.memory_space<vmem>>
    %dma_wait3A_390 = arith.constant 0 : i32
    %dma_wait3A_391 = arith.constant 0 : i32
    %dma_wait3A_392 = tpu.memref_slice %arg2[%dma_wait3A_390, %dma_wait3A_391] : memref<16384x16xf32, #tpu.memory_space<hbm>> -> memref<16384x16xf32, #tpu.memory_space<hbm>>
    tpu.wait_indirect_dma semaphore(%arg8 : memref<!tpu.dma_semaphore, #tpu.memory_space<semaphore_mem>>) src(%dma_wait3A_392 : memref<16384x16xf32, #tpu.memory_space<hbm>>) dst(%dma_wait3A_386 : memref<128x16xf32, #tpu.memory_space<vmem>>)
    %dma_wait3A_393 = arith.constant 7 : i32
    %dma_wait3A_394 = arith.constant 896 : i32
    %dma_wait3A_395 = arith.constant 0 : i32
    %dma_wait3A_396 = tpu.memref_slice %arg6[%dma_wait3A_394, %dma_wait3A_395] : memref<4096x16xf32, #tpu.memory_space<vmem>> -> memref<128x16xf32, #tpu.memory_space<vmem>>
    %dma_wait3A_397 = arith.constant 0 : i32
    %dma_wait3A_398 = tpu.memref_slice %arg5[%dma_wait3A_393, %dma_wait3A_397] : memref<32x128xi32, #tpu.memory_space<vmem>> -> memref<1x128xi32, #tpu.memory_space<vmem>>
    %dma_wait3A_399 = tpu.memref_squeeze %dma_wait3A_398 : memref<1x128xi32, #tpu.memory_space<vmem>> -> memref<128xi32, #tpu.memory_space<vmem>>
    %dma_wait3A_400 = arith.constant 0 : i32
    %dma_wait3A_401 = arith.constant 0 : i32
    %dma_wait3A_402 = tpu.memref_slice %arg2[%dma_wait3A_400, %dma_wait3A_401] : memref<16384x16xf32, #tpu.memory_space<hbm>> -> memref<16384x16xf32, #tpu.memory_space<hbm>>
    tpu.wait_indirect_dma semaphore(%arg8 : memref<!tpu.dma_semaphore, #tpu.memory_space<semaphore_mem>>) src(%dma_wait3A_402 : memref<16384x16xf32, #tpu.memory_space<hbm>>) dst(%dma_wait3A_396 : memref<128x16xf32, #tpu.memory_space<vmem>>)
    %dma_wait3A_403 = arith.constant 8 : i32
    %dma_wait3A_404 = arith.constant 1024 : i32
    %dma_wait3A_405 = arith.constant 0 : i32
    %dma_wait3A_406 = tpu.memref_slice %arg6[%dma_wait3A_404, %dma_wait3A_405] : memref<4096x16xf32, #tpu.memory_space<vmem>> -> memref<128x16xf32, #tpu.memory_space<vmem>>
    %dma_wait3A_407 = arith.constant 0 : i32
    %dma_wait3A_408 = tpu.memref_slice %arg5[%dma_wait3A_403, %dma_wait3A_407] : memref<32x128xi32, #tpu.memory_space<vmem>> -> memref<1x128xi32, #tpu.memory_space<vmem>>
    %dma_wait3A_409 = tpu.memref_squeeze %dma_wait3A_408 : memref<1x128xi32, #tpu.memory_space<vmem>> -> memref<128xi32, #tpu.memory_space<vmem>>
    %dma_wait3A_410 = arith.constant 0 : i32
    %dma_wait3A_411 = arith.constant 0 : i32
    %dma_wait3A_412 = tpu.memref_slice %arg2[%dma_wait3A_410, %dma_wait3A_411] : memref<16384x16xf32, #tpu.memory_space<hbm>> -> memref<16384x16xf32, #tpu.memory_space<hbm>>
    tpu.wait_indirect_dma semaphore(%arg8 : memref<!tpu.dma_semaphore, #tpu.memory_space<semaphore_mem>>) src(%dma_wait3A_412 : memref<16384x16xf32, #tpu.memory_space<hbm>>) dst(%dma_wait3A_406 : memref<128x16xf32, #tpu.memory_space<vmem>>)
    %dma_wait3A_413 = arith.constant 9 : i32
    %dma_wait3A_414 = arith.constant 1152 : i32
    %dma_wait3A_415 = arith.constant 0 : i32
    %dma_wait3A_416 = tpu.memref_slice %arg6[%dma_wait3A_414, %dma_wait3A_415] : memref<4096x16xf32, #tpu.memory_space<vmem>> -> memref<128x16xf32, #tpu.memory_space<vmem>>
    %dma_wait3A_417 = arith.constant 0 : i32
    %dma_wait3A_418 = tpu.memref_slice %arg5[%dma_wait3A_413, %dma_wait3A_417] : memref<32x128xi32, #tpu.memory_space<vmem>> -> memref<1x128xi32, #tpu.memory_space<vmem>>
    %dma_wait3A_419 = tpu.memref_squeeze %dma_wait3A_418 : memref<1x128xi32, #tpu.memory_space<vmem>> -> memref<128xi32, #tpu.memory_space<vmem>>
    %dma_wait3A_420 = arith.constant 0 : i32
    %dma_wait3A_421 = arith.constant 0 : i32
    %dma_wait3A_422 = tpu.memref_slice %arg2[%dma_wait3A_420, %dma_wait3A_421] : memref<16384x16xf32, #tpu.memory_space<hbm>> -> memref<16384x16xf32, #tpu.memory_space<hbm>>
    tpu.wait_indirect_dma semaphore(%arg8 : memref<!tpu.dma_semaphore, #tpu.memory_space<semaphore_mem>>) src(%dma_wait3A_422 : memref<16384x16xf32, #tpu.memory_space<hbm>>) dst(%dma_wait3A_416 : memref<128x16xf32, #tpu.memory_space<vmem>>)
    %dma_wait3A_423 = arith.constant 10 : i32
    %dma_wait3A_424 = arith.constant 1280 : i32
    %dma_wait3A_425 = arith.constant 0 : i32
    %dma_wait3A_426 = tpu.memref_slice %arg6[%dma_wait3A_424, %dma_wait3A_425] : memref<4096x16xf32, #tpu.memory_space<vmem>> -> memref<128x16xf32, #tpu.memory_space<vmem>>
    %dma_wait3A_427 = arith.constant 0 : i32
    %dma_wait3A_428 = tpu.memref_slice %arg5[%dma_wait3A_423, %dma_wait3A_427] : memref<32x128xi32, #tpu.memory_space<vmem>> -> memref<1x128xi32, #tpu.memory_space<vmem>>
    %dma_wait3A_429 = tpu.memref_squeeze %dma_wait3A_428 : memref<1x128xi32, #tpu.memory_space<vmem>> -> memref<128xi32, #tpu.memory_space<vmem>>
    %dma_wait3A_430 = arith.constant 0 : i32
    %dma_wait3A_431 = arith.constant 0 : i32
    %dma_wait3A_432 = tpu.memref_slice %arg2[%dma_wait3A_430, %dma_wait3A_431] : memref<16384x16xf32, #tpu.memory_space<hbm>> -> memref<16384x16xf32, #tpu.memory_space<hbm>>
    tpu.wait_indirect_dma semaphore(%arg8 : memref<!tpu.dma_semaphore, #tpu.memory_space<semaphore_mem>>) src(%dma_wait3A_432 : memref<16384x16xf32, #tpu.memory_space<hbm>>) dst(%dma_wait3A_426 : memref<128x16xf32, #tpu.memory_space<vmem>>)
    %dma_wait3A_433 = arith.constant 11 : i32
    %dma_wait3A_434 = arith.constant 1408 : i32
    %dma_wait3A_435 = arith.constant 0 : i32
    %dma_wait3A_436 = tpu.memref_slice %arg6[%dma_wait3A_434, %dma_wait3A_435] : memref<4096x16xf32, #tpu.memory_space<vmem>> -> memref<128x16xf32, #tpu.memory_space<vmem>>
    %dma_wait3A_437 = arith.constant 0 : i32
    %dma_wait3A_438 = tpu.memref_slice %arg5[%dma_wait3A_433, %dma_wait3A_437] : memref<32x128xi32, #tpu.memory_space<vmem>> -> memref<1x128xi32, #tpu.memory_space<vmem>>
    %dma_wait3A_439 = tpu.memref_squeeze %dma_wait3A_438 : memref<1x128xi32, #tpu.memory_space<vmem>> -> memref<128xi32, #tpu.memory_space<vmem>>
    %dma_wait3A_440 = arith.constant 0 : i32
    %dma_wait3A_441 = arith.constant 0 : i32
    %dma_wait3A_442 = tpu.memref_slice %arg2[%dma_wait3A_440, %dma_wait3A_441] : memref<16384x16xf32, #tpu.memory_space<hbm>> -> memref<16384x16xf32, #tpu.memory_space<hbm>>
    tpu.wait_indirect_dma semaphore(%arg8 : memref<!tpu.dma_semaphore, #tpu.memory_space<semaphore_mem>>) src(%dma_wait3A_442 : memref<16384x16xf32, #tpu.memory_space<hbm>>) dst(%dma_wait3A_436 : memref<128x16xf32, #tpu.memory_space<vmem>>)
    %dma_wait3A_443 = arith.constant 12 : i32
    %dma_wait3A_444 = arith.constant 1536 : i32
    %dma_wait3A_445 = arith.constant 0 : i32
    %dma_wait3A_446 = tpu.memref_slice %arg6[%dma_wait3A_444, %dma_wait3A_445] : memref<4096x16xf32, #tpu.memory_space<vmem>> -> memref<128x16xf32, #tpu.memory_space<vmem>>
    %dma_wait3A_447 = arith.constant 0 : i32
    %dma_wait3A_448 = tpu.memref_slice %arg5[%dma_wait3A_443, %dma_wait3A_447] : memref<32x128xi32, #tpu.memory_space<vmem>> -> memref<1x128xi32, #tpu.memory_space<vmem>>
    %dma_wait3A_449 = tpu.memref_squeeze %dma_wait3A_448 : memref<1x128xi32, #tpu.memory_space<vmem>> -> memref<128xi32, #tpu.memory_space<vmem>>
    %dma_wait3A_450 = arith.constant 0 : i32
    %dma_wait3A_451 = arith.constant 0 : i32
    %dma_wait3A_452 = tpu.memref_slice %arg2[%dma_wait3A_450, %dma_wait3A_451] : memref<16384x16xf32, #tpu.memory_space<hbm>> -> memref<16384x16xf32, #tpu.memory_space<hbm>>
    tpu.wait_indirect_dma semaphore(%arg8 : memref<!tpu.dma_semaphore, #tpu.memory_space<semaphore_mem>>) src(%dma_wait3A_452 : memref<16384x16xf32, #tpu.memory_space<hbm>>) dst(%dma_wait3A_446 : memref<128x16xf32, #tpu.memory_space<vmem>>)
    %dma_wait3A_453 = arith.constant 13 : i32
    %dma_wait3A_454 = arith.constant 1664 : i32
    %dma_wait3A_455 = arith.constant 0 : i32
    %dma_wait3A_456 = tpu.memref_slice %arg6[%dma_wait3A_454, %dma_wait3A_455] : memref<4096x16xf32, #tpu.memory_space<vmem>> -> memref<128x16xf32, #tpu.memory_space<vmem>>
    %dma_wait3A_457 = arith.constant 0 : i32
    %dma_wait3A_458 = tpu.memref_slice %arg5[%dma_wait3A_453, %dma_wait3A_457] : memref<32x128xi32, #tpu.memory_space<vmem>> -> memref<1x128xi32, #tpu.memory_space<vmem>>
    %dma_wait3A_459 = tpu.memref_squeeze %dma_wait3A_458 : memref<1x128xi32, #tpu.memory_space<vmem>> -> memref<128xi32, #tpu.memory_space<vmem>>
    %dma_wait3A_460 = arith.constant 0 : i32
    %dma_wait3A_461 = arith.constant 0 : i32
    %dma_wait3A_462 = tpu.memref_slice %arg2[%dma_wait3A_460, %dma_wait3A_461] : memref<16384x16xf32, #tpu.memory_space<hbm>> -> memref<16384x16xf32, #tpu.memory_space<hbm>>
    tpu.wait_indirect_dma semaphore(%arg8 : memref<!tpu.dma_semaphore, #tpu.memory_space<semaphore_mem>>) src(%dma_wait3A_462 : memref<16384x16xf32, #tpu.memory_space<hbm>>) dst(%dma_wait3A_456 : memref<128x16xf32, #tpu.memory_space<vmem>>)
    %dma_wait3A_463 = arith.constant 14 : i32
    %dma_wait3A_464 = arith.constant 1792 : i32
    %dma_wait3A_465 = arith.constant 0 : i32
    %dma_wait3A_466 = tpu.memref_slice %arg6[%dma_wait3A_464, %dma_wait3A_465] : memref<4096x16xf32, #tpu.memory_space<vmem>> -> memref<128x16xf32, #tpu.memory_space<vmem>>
    %dma_wait3A_467 = arith.constant 0 : i32
    %dma_wait3A_468 = tpu.memref_slice %arg5[%dma_wait3A_463, %dma_wait3A_467] : memref<32x128xi32, #tpu.memory_space<vmem>> -> memref<1x128xi32, #tpu.memory_space<vmem>>
    %dma_wait3A_469 = tpu.memref_squeeze %dma_wait3A_468 : memref<1x128xi32, #tpu.memory_space<vmem>> -> memref<128xi32, #tpu.memory_space<vmem>>
    %dma_wait3A_470 = arith.constant 0 : i32
    %dma_wait3A_471 = arith.constant 0 : i32
    %dma_wait3A_472 = tpu.memref_slice %arg2[%dma_wait3A_470, %dma_wait3A_471] : memref<16384x16xf32, #tpu.memory_space<hbm>> -> memref<16384x16xf32, #tpu.memory_space<hbm>>
    tpu.wait_indirect_dma semaphore(%arg8 : memref<!tpu.dma_semaphore, #tpu.memory_space<semaphore_mem>>) src(%dma_wait3A_472 : memref<16384x16xf32, #tpu.memory_space<hbm>>) dst(%dma_wait3A_466 : memref<128x16xf32, #tpu.memory_space<vmem>>)
    %dma_wait3A_473 = arith.constant 15 : i32
    %dma_wait3A_474 = arith.constant 1920 : i32
    %dma_wait3A_475 = arith.constant 0 : i32
    %dma_wait3A_476 = tpu.memref_slice %arg6[%dma_wait3A_474, %dma_wait3A_475] : memref<4096x16xf32, #tpu.memory_space<vmem>> -> memref<128x16xf32, #tpu.memory_space<vmem>>
    %dma_wait3A_477 = arith.constant 0 : i32
    %dma_wait3A_478 = tpu.memref_slice %arg5[%dma_wait3A_473, %dma_wait3A_477] : memref<32x128xi32, #tpu.memory_space<vmem>> -> memref<1x128xi32, #tpu.memory_space<vmem>>
    %dma_wait3A_479 = tpu.memref_squeeze %dma_wait3A_478 : memref<1x128xi32, #tpu.memory_space<vmem>> -> memref<128xi32, #tpu.memory_space<vmem>>
    %dma_wait3A_480 = arith.constant 0 : i32
    %dma_wait3A_481 = arith.constant 0 : i32
    %dma_wait3A_482 = tpu.memref_slice %arg2[%dma_wait3A_480, %dma_wait3A_481] : memref<16384x16xf32, #tpu.memory_space<hbm>> -> memref<16384x16xf32, #tpu.memory_space<hbm>>
    tpu.wait_indirect_dma semaphore(%arg8 : memref<!tpu.dma_semaphore, #tpu.memory_space<semaphore_mem>>) src(%dma_wait3A_482 : memref<16384x16xf32, #tpu.memory_space<hbm>>) dst(%dma_wait3A_476 : memref<128x16xf32, #tpu.memory_space<vmem>>)
    %dma_wait3A_483 = arith.constant 16 : i32
    %dma_wait3A_484 = arith.constant 2048 : i32
    %dma_wait3A_485 = arith.constant 0 : i32
    %dma_wait3A_486 = tpu.memref_slice %arg6[%dma_wait3A_484, %dma_wait3A_485] : memref<4096x16xf32, #tpu.memory_space<vmem>> -> memref<128x16xf32, #tpu.memory_space<vmem>>
    %dma_wait3A_487 = arith.constant 0 : i32
    %dma_wait3A_488 = tpu.memref_slice %arg5[%dma_wait3A_483, %dma_wait3A_487] : memref<32x128xi32, #tpu.memory_space<vmem>> -> memref<1x128xi32, #tpu.memory_space<vmem>>
    %dma_wait3A_489 = tpu.memref_squeeze %dma_wait3A_488 : memref<1x128xi32, #tpu.memory_space<vmem>> -> memref<128xi32, #tpu.memory_space<vmem>>
    %dma_wait3A_490 = arith.constant 0 : i32
    %dma_wait3A_491 = arith.constant 0 : i32
    %dma_wait3A_492 = tpu.memref_slice %arg2[%dma_wait3A_490, %dma_wait3A_491] : memref<16384x16xf32, #tpu.memory_space<hbm>> -> memref<16384x16xf32, #tpu.memory_space<hbm>>
    tpu.wait_indirect_dma semaphore(%arg8 : memref<!tpu.dma_semaphore, #tpu.memory_space<semaphore_mem>>) src(%dma_wait3A_492 : memref<16384x16xf32, #tpu.memory_space<hbm>>) dst(%dma_wait3A_486 : memref<128x16xf32, #tpu.memory_space<vmem>>)
    %dma_wait3A_493 = arith.constant 17 : i32
    %dma_wait3A_494 = arith.constant 2176 : i32
    %dma_wait3A_495 = arith.constant 0 : i32
    %dma_wait3A_496 = tpu.memref_slice %arg6[%dma_wait3A_494, %dma_wait3A_495] : memref<4096x16xf32, #tpu.memory_space<vmem>> -> memref<128x16xf32, #tpu.memory_space<vmem>>
    %dma_wait3A_497 = arith.constant 0 : i32
    %dma_wait3A_498 = tpu.memref_slice %arg5[%dma_wait3A_493, %dma_wait3A_497] : memref<32x128xi32, #tpu.memory_space<vmem>> -> memref<1x128xi32, #tpu.memory_space<vmem>>
    %dma_wait3A_499 = tpu.memref_squeeze %dma_wait3A_498 : memref<1x128xi32, #tpu.memory_space<vmem>> -> memref<128xi32, #tpu.memory_space<vmem>>
    %dma_wait3A_500 = arith.constant 0 : i32
    %dma_wait3A_501 = arith.constant 0 : i32
    %dma_wait3A_502 = tpu.memref_slice %arg2[%dma_wait3A_500, %dma_wait3A_501] : memref<16384x16xf32, #tpu.memory_space<hbm>> -> memref<16384x16xf32, #tpu.memory_space<hbm>>
    tpu.wait_indirect_dma semaphore(%arg8 : memref<!tpu.dma_semaphore, #tpu.memory_space<semaphore_mem>>) src(%dma_wait3A_502 : memref<16384x16xf32, #tpu.memory_space<hbm>>) dst(%dma_wait3A_496 : memref<128x16xf32, #tpu.memory_space<vmem>>)
    %dma_wait3A_503 = arith.constant 18 : i32
    %dma_wait3A_504 = arith.constant 2304 : i32
    %dma_wait3A_505 = arith.constant 0 : i32
    %dma_wait3A_506 = tpu.memref_slice %arg6[%dma_wait3A_504, %dma_wait3A_505] : memref<4096x16xf32, #tpu.memory_space<vmem>> -> memref<128x16xf32, #tpu.memory_space<vmem>>
    %dma_wait3A_507 = arith.constant 0 : i32
    %dma_wait3A_508 = tpu.memref_slice %arg5[%dma_wait3A_503, %dma_wait3A_507] : memref<32x128xi32, #tpu.memory_space<vmem>> -> memref<1x128xi32, #tpu.memory_space<vmem>>
    %dma_wait3A_509 = tpu.memref_squeeze %dma_wait3A_508 : memref<1x128xi32, #tpu.memory_space<vmem>> -> memref<128xi32, #tpu.memory_space<vmem>>
    %dma_wait3A_510 = arith.constant 0 : i32
    %dma_wait3A_511 = arith.constant 0 : i32
    %dma_wait3A_512 = tpu.memref_slice %arg2[%dma_wait3A_510, %dma_wait3A_511] : memref<16384x16xf32, #tpu.memory_space<hbm>> -> memref<16384x16xf32, #tpu.memory_space<hbm>>
    tpu.wait_indirect_dma semaphore(%arg8 : memref<!tpu.dma_semaphore, #tpu.memory_space<semaphore_mem>>) src(%dma_wait3A_512 : memref<16384x16xf32, #tpu.memory_space<hbm>>) dst(%dma_wait3A_506 : memref<128x16xf32, #tpu.memory_space<vmem>>)
    %dma_wait3A_513 = arith.constant 19 : i32
    %dma_wait3A_514 = arith.constant 2432 : i32
    %dma_wait3A_515 = arith.constant 0 : i32
    %dma_wait3A_516 = tpu.memref_slice %arg6[%dma_wait3A_514, %dma_wait3A_515] : memref<4096x16xf32, #tpu.memory_space<vmem>> -> memref<128x16xf32, #tpu.memory_space<vmem>>
    %dma_wait3A_517 = arith.constant 0 : i32
    %dma_wait3A_518 = tpu.memref_slice %arg5[%dma_wait3A_513, %dma_wait3A_517] : memref<32x128xi32, #tpu.memory_space<vmem>> -> memref<1x128xi32, #tpu.memory_space<vmem>>
    %dma_wait3A_519 = tpu.memref_squeeze %dma_wait3A_518 : memref<1x128xi32, #tpu.memory_space<vmem>> -> memref<128xi32, #tpu.memory_space<vmem>>
    %dma_wait3A_520 = arith.constant 0 : i32
    %dma_wait3A_521 = arith.constant 0 : i32
    %dma_wait3A_522 = tpu.memref_slice %arg2[%dma_wait3A_520, %dma_wait3A_521] : memref<16384x16xf32, #tpu.memory_space<hbm>> -> memref<16384x16xf32, #tpu.memory_space<hbm>>
    tpu.wait_indirect_dma semaphore(%arg8 : memref<!tpu.dma_semaphore, #tpu.memory_space<semaphore_mem>>) src(%dma_wait3A_522 : memref<16384x16xf32, #tpu.memory_space<hbm>>) dst(%dma_wait3A_516 : memref<128x16xf32, #tpu.memory_space<vmem>>)
    %dma_wait3A_523 = arith.constant 20 : i32
    %dma_wait3A_524 = arith.constant 2560 : i32
    %dma_wait3A_525 = arith.constant 0 : i32
    %dma_wait3A_526 = tpu.memref_slice %arg6[%dma_wait3A_524, %dma_wait3A_525] : memref<4096x16xf32, #tpu.memory_space<vmem>> -> memref<128x16xf32, #tpu.memory_space<vmem>>
    %dma_wait3A_527 = arith.constant 0 : i32
    %dma_wait3A_528 = tpu.memref_slice %arg5[%dma_wait3A_523, %dma_wait3A_527] : memref<32x128xi32, #tpu.memory_space<vmem>> -> memref<1x128xi32, #tpu.memory_space<vmem>>
    %dma_wait3A_529 = tpu.memref_squeeze %dma_wait3A_528 : memref<1x128xi32, #tpu.memory_space<vmem>> -> memref<128xi32, #tpu.memory_space<vmem>>
    %dma_wait3A_530 = arith.constant 0 : i32
    %dma_wait3A_531 = arith.constant 0 : i32
    %dma_wait3A_532 = tpu.memref_slice %arg2[%dma_wait3A_530, %dma_wait3A_531] : memref<16384x16xf32, #tpu.memory_space<hbm>> -> memref<16384x16xf32, #tpu.memory_space<hbm>>
    tpu.wait_indirect_dma semaphore(%arg8 : memref<!tpu.dma_semaphore, #tpu.memory_space<semaphore_mem>>) src(%dma_wait3A_532 : memref<16384x16xf32, #tpu.memory_space<hbm>>) dst(%dma_wait3A_526 : memref<128x16xf32, #tpu.memory_space<vmem>>)
    %dma_wait3A_533 = arith.constant 21 : i32
    %dma_wait3A_534 = arith.constant 2688 : i32
    %dma_wait3A_535 = arith.constant 0 : i32
    %dma_wait3A_536 = tpu.memref_slice %arg6[%dma_wait3A_534, %dma_wait3A_535] : memref<4096x16xf32, #tpu.memory_space<vmem>> -> memref<128x16xf32, #tpu.memory_space<vmem>>
    %dma_wait3A_537 = arith.constant 0 : i32
    %dma_wait3A_538 = tpu.memref_slice %arg5[%dma_wait3A_533, %dma_wait3A_537] : memref<32x128xi32, #tpu.memory_space<vmem>> -> memref<1x128xi32, #tpu.memory_space<vmem>>
    %dma_wait3A_539 = tpu.memref_squeeze %dma_wait3A_538 : memref<1x128xi32, #tpu.memory_space<vmem>> -> memref<128xi32, #tpu.memory_space<vmem>>
    %dma_wait3A_540 = arith.constant 0 : i32
    %dma_wait3A_541 = arith.constant 0 : i32
    %dma_wait3A_542 = tpu.memref_slice %arg2[%dma_wait3A_540, %dma_wait3A_541] : memref<16384x16xf32, #tpu.memory_space<hbm>> -> memref<16384x16xf32, #tpu.memory_space<hbm>>
    tpu.wait_indirect_dma semaphore(%arg8 : memref<!tpu.dma_semaphore, #tpu.memory_space<semaphore_mem>>) src(%dma_wait3A_542 : memref<16384x16xf32, #tpu.memory_space<hbm>>) dst(%dma_wait3A_536 : memref<128x16xf32, #tpu.memory_space<vmem>>)
    %dma_wait3A_543 = arith.constant 22 : i32
    %dma_wait3A_544 = arith.constant 2816 : i32
    %dma_wait3A_545 = arith.constant 0 : i32
    %dma_wait3A_546 = tpu.memref_slice %arg6[%dma_wait3A_544, %dma_wait3A_545] : memref<4096x16xf32, #tpu.memory_space<vmem>> -> memref<128x16xf32, #tpu.memory_space<vmem>>
    %dma_wait3A_547 = arith.constant 0 : i32
    %dma_wait3A_548 = tpu.memref_slice %arg5[%dma_wait3A_543, %dma_wait3A_547] : memref<32x128xi32, #tpu.memory_space<vmem>> -> memref<1x128xi32, #tpu.memory_space<vmem>>
    %dma_wait3A_549 = tpu.memref_squeeze %dma_wait3A_548 : memref<1x128xi32, #tpu.memory_space<vmem>> -> memref<128xi32, #tpu.memory_space<vmem>>
    %dma_wait3A_550 = arith.constant 0 : i32
    %dma_wait3A_551 = arith.constant 0 : i32
    %dma_wait3A_552 = tpu.memref_slice %arg2[%dma_wait3A_550, %dma_wait3A_551] : memref<16384x16xf32, #tpu.memory_space<hbm>> -> memref<16384x16xf32, #tpu.memory_space<hbm>>
    tpu.wait_indirect_dma semaphore(%arg8 : memref<!tpu.dma_semaphore, #tpu.memory_space<semaphore_mem>>) src(%dma_wait3A_552 : memref<16384x16xf32, #tpu.memory_space<hbm>>) dst(%dma_wait3A_546 : memref<128x16xf32, #tpu.memory_space<vmem>>)
    %dma_wait3A_553 = arith.constant 23 : i32
    %dma_wait3A_554 = arith.constant 2944 : i32
    %dma_wait3A_555 = arith.constant 0 : i32
    %dma_wait3A_556 = tpu.memref_slice %arg6[%dma_wait3A_554, %dma_wait3A_555] : memref<4096x16xf32, #tpu.memory_space<vmem>> -> memref<128x16xf32, #tpu.memory_space<vmem>>
    %dma_wait3A_557 = arith.constant 0 : i32
    %dma_wait3A_558 = tpu.memref_slice %arg5[%dma_wait3A_553, %dma_wait3A_557] : memref<32x128xi32, #tpu.memory_space<vmem>> -> memref<1x128xi32, #tpu.memory_space<vmem>>
    %dma_wait3A_559 = tpu.memref_squeeze %dma_wait3A_558 : memref<1x128xi32, #tpu.memory_space<vmem>> -> memref<128xi32, #tpu.memory_space<vmem>>
    %dma_wait3A_560 = arith.constant 0 : i32
    %dma_wait3A_561 = arith.constant 0 : i32
    %dma_wait3A_562 = tpu.memref_slice %arg2[%dma_wait3A_560, %dma_wait3A_561] : memref<16384x16xf32, #tpu.memory_space<hbm>> -> memref<16384x16xf32, #tpu.memory_space<hbm>>
    tpu.wait_indirect_dma semaphore(%arg8 : memref<!tpu.dma_semaphore, #tpu.memory_space<semaphore_mem>>) src(%dma_wait3A_562 : memref<16384x16xf32, #tpu.memory_space<hbm>>) dst(%dma_wait3A_556 : memref<128x16xf32, #tpu.memory_space<vmem>>)
    %dma_wait3A_563 = arith.constant 24 : i32
    %dma_wait3A_564 = arith.constant 3072 : i32
    %dma_wait3A_565 = arith.constant 0 : i32
    %dma_wait3A_566 = tpu.memref_slice %arg6[%dma_wait3A_564, %dma_wait3A_565] : memref<4096x16xf32, #tpu.memory_space<vmem>> -> memref<128x16xf32, #tpu.memory_space<vmem>>
    %dma_wait3A_567 = arith.constant 0 : i32
    %dma_wait3A_568 = tpu.memref_slice %arg5[%dma_wait3A_563, %dma_wait3A_567] : memref<32x128xi32, #tpu.memory_space<vmem>> -> memref<1x128xi32, #tpu.memory_space<vmem>>
    %dma_wait3A_569 = tpu.memref_squeeze %dma_wait3A_568 : memref<1x128xi32, #tpu.memory_space<vmem>> -> memref<128xi32, #tpu.memory_space<vmem>>
    %dma_wait3A_570 = arith.constant 0 : i32
    %dma_wait3A_571 = arith.constant 0 : i32
    %dma_wait3A_572 = tpu.memref_slice %arg2[%dma_wait3A_570, %dma_wait3A_571] : memref<16384x16xf32, #tpu.memory_space<hbm>> -> memref<16384x16xf32, #tpu.memory_space<hbm>>
    tpu.wait_indirect_dma semaphore(%arg8 : memref<!tpu.dma_semaphore, #tpu.memory_space<semaphore_mem>>) src(%dma_wait3A_572 : memref<16384x16xf32, #tpu.memory_space<hbm>>) dst(%dma_wait3A_566 : memref<128x16xf32, #tpu.memory_space<vmem>>)
    %dma_wait3A_573 = arith.constant 25 : i32
    %dma_wait3A_574 = arith.constant 3200 : i32
    %dma_wait3A_575 = arith.constant 0 : i32
    %dma_wait3A_576 = tpu.memref_slice %arg6[%dma_wait3A_574, %dma_wait3A_575] : memref<4096x16xf32, #tpu.memory_space<vmem>> -> memref<128x16xf32, #tpu.memory_space<vmem>>
    %dma_wait3A_577 = arith.constant 0 : i32
    %dma_wait3A_578 = tpu.memref_slice %arg5[%dma_wait3A_573, %dma_wait3A_577] : memref<32x128xi32, #tpu.memory_space<vmem>> -> memref<1x128xi32, #tpu.memory_space<vmem>>
    %dma_wait3A_579 = tpu.memref_squeeze %dma_wait3A_578 : memref<1x128xi32, #tpu.memory_space<vmem>> -> memref<128xi32, #tpu.memory_space<vmem>>
    %dma_wait3A_580 = arith.constant 0 : i32
    %dma_wait3A_581 = arith.constant 0 : i32
    %dma_wait3A_582 = tpu.memref_slice %arg2[%dma_wait3A_580, %dma_wait3A_581] : memref<16384x16xf32, #tpu.memory_space<hbm>> -> memref<16384x16xf32, #tpu.memory_space<hbm>>
    tpu.wait_indirect_dma semaphore(%arg8 : memref<!tpu.dma_semaphore, #tpu.memory_space<semaphore_mem>>) src(%dma_wait3A_582 : memref<16384x16xf32, #tpu.memory_space<hbm>>) dst(%dma_wait3A_576 : memref<128x16xf32, #tpu.memory_space<vmem>>)
    %dma_wait3A_583 = arith.constant 26 : i32
    %dma_wait3A_584 = arith.constant 3328 : i32
    %dma_wait3A_585 = arith.constant 0 : i32
    %dma_wait3A_586 = tpu.memref_slice %arg6[%dma_wait3A_584, %dma_wait3A_585] : memref<4096x16xf32, #tpu.memory_space<vmem>> -> memref<128x16xf32, #tpu.memory_space<vmem>>
    %dma_wait3A_587 = arith.constant 0 : i32
    %dma_wait3A_588 = tpu.memref_slice %arg5[%dma_wait3A_583, %dma_wait3A_587] : memref<32x128xi32, #tpu.memory_space<vmem>> -> memref<1x128xi32, #tpu.memory_space<vmem>>
    %dma_wait3A_589 = tpu.memref_squeeze %dma_wait3A_588 : memref<1x128xi32, #tpu.memory_space<vmem>> -> memref<128xi32, #tpu.memory_space<vmem>>
    %dma_wait3A_590 = arith.constant 0 : i32
    %dma_wait3A_591 = arith.constant 0 : i32
    %dma_wait3A_592 = tpu.memref_slice %arg2[%dma_wait3A_590, %dma_wait3A_591] : memref<16384x16xf32, #tpu.memory_space<hbm>> -> memref<16384x16xf32, #tpu.memory_space<hbm>>
    tpu.wait_indirect_dma semaphore(%arg8 : memref<!tpu.dma_semaphore, #tpu.memory_space<semaphore_mem>>) src(%dma_wait3A_592 : memref<16384x16xf32, #tpu.memory_space<hbm>>) dst(%dma_wait3A_586 : memref<128x16xf32, #tpu.memory_space<vmem>>)
    %dma_wait3A_593 = arith.constant 27 : i32
    %dma_wait3A_594 = arith.constant 3456 : i32
    %dma_wait3A_595 = arith.constant 0 : i32
    %dma_wait3A_596 = tpu.memref_slice %arg6[%dma_wait3A_594, %dma_wait3A_595] : memref<4096x16xf32, #tpu.memory_space<vmem>> -> memref<128x16xf32, #tpu.memory_space<vmem>>
    %dma_wait3A_597 = arith.constant 0 : i32
    %dma_wait3A_598 = tpu.memref_slice %arg5[%dma_wait3A_593, %dma_wait3A_597] : memref<32x128xi32, #tpu.memory_space<vmem>> -> memref<1x128xi32, #tpu.memory_space<vmem>>
    %dma_wait3A_599 = tpu.memref_squeeze %dma_wait3A_598 : memref<1x128xi32, #tpu.memory_space<vmem>> -> memref<128xi32, #tpu.memory_space<vmem>>
    %dma_wait3A_600 = arith.constant 0 : i32
    %dma_wait3A_601 = arith.constant 0 : i32
    %dma_wait3A_602 = tpu.memref_slice %arg2[%dma_wait3A_600, %dma_wait3A_601] : memref<16384x16xf32, #tpu.memory_space<hbm>> -> memref<16384x16xf32, #tpu.memory_space<hbm>>
    tpu.wait_indirect_dma semaphore(%arg8 : memref<!tpu.dma_semaphore, #tpu.memory_space<semaphore_mem>>) src(%dma_wait3A_602 : memref<16384x16xf32, #tpu.memory_space<hbm>>) dst(%dma_wait3A_596 : memref<128x16xf32, #tpu.memory_space<vmem>>)
    %dma_wait3A_603 = arith.constant 28 : i32
    %dma_wait3A_604 = arith.constant 3584 : i32
    %dma_wait3A_605 = arith.constant 0 : i32
    %dma_wait3A_606 = tpu.memref_slice %arg6[%dma_wait3A_604, %dma_wait3A_605] : memref<4096x16xf32, #tpu.memory_space<vmem>> -> memref<128x16xf32, #tpu.memory_space<vmem>>
    %dma_wait3A_607 = arith.constant 0 : i32
    %dma_wait3A_608 = tpu.memref_slice %arg5[%dma_wait3A_603, %dma_wait3A_607] : memref<32x128xi32, #tpu.memory_space<vmem>> -> memref<1x128xi32, #tpu.memory_space<vmem>>
    %dma_wait3A_609 = tpu.memref_squeeze %dma_wait3A_608 : memref<1x128xi32, #tpu.memory_space<vmem>> -> memref<128xi32, #tpu.memory_space<vmem>>
    %dma_wait3A_610 = arith.constant 0 : i32
    %dma_wait3A_611 = arith.constant 0 : i32
    %dma_wait3A_612 = tpu.memref_slice %arg2[%dma_wait3A_610, %dma_wait3A_611] : memref<16384x16xf32, #tpu.memory_space<hbm>> -> memref<16384x16xf32, #tpu.memory_space<hbm>>
    tpu.wait_indirect_dma semaphore(%arg8 : memref<!tpu.dma_semaphore, #tpu.memory_space<semaphore_mem>>) src(%dma_wait3A_612 : memref<16384x16xf32, #tpu.memory_space<hbm>>) dst(%dma_wait3A_606 : memref<128x16xf32, #tpu.memory_space<vmem>>)
    %dma_wait3A_613 = arith.constant 29 : i32
    %dma_wait3A_614 = arith.constant 3712 : i32
    %dma_wait3A_615 = arith.constant 0 : i32
    %dma_wait3A_616 = tpu.memref_slice %arg6[%dma_wait3A_614, %dma_wait3A_615] : memref<4096x16xf32, #tpu.memory_space<vmem>> -> memref<128x16xf32, #tpu.memory_space<vmem>>
    %dma_wait3A_617 = arith.constant 0 : i32
    %dma_wait3A_618 = tpu.memref_slice %arg5[%dma_wait3A_613, %dma_wait3A_617] : memref<32x128xi32, #tpu.memory_space<vmem>> -> memref<1x128xi32, #tpu.memory_space<vmem>>
    %dma_wait3A_619 = tpu.memref_squeeze %dma_wait3A_618 : memref<1x128xi32, #tpu.memory_space<vmem>> -> memref<128xi32, #tpu.memory_space<vmem>>
    %dma_wait3A_620 = arith.constant 0 : i32
    %dma_wait3A_621 = arith.constant 0 : i32
    %dma_wait3A_622 = tpu.memref_slice %arg2[%dma_wait3A_620, %dma_wait3A_621] : memref<16384x16xf32, #tpu.memory_space<hbm>> -> memref<16384x16xf32, #tpu.memory_space<hbm>>
    tpu.wait_indirect_dma semaphore(%arg8 : memref<!tpu.dma_semaphore, #tpu.memory_space<semaphore_mem>>) src(%dma_wait3A_622 : memref<16384x16xf32, #tpu.memory_space<hbm>>) dst(%dma_wait3A_616 : memref<128x16xf32, #tpu.memory_space<vmem>>)
    %dma_wait3A_623 = arith.constant 30 : i32
    %dma_wait3A_624 = arith.constant 3840 : i32
    %dma_wait3A_625 = arith.constant 0 : i32
    %dma_wait3A_626 = tpu.memref_slice %arg6[%dma_wait3A_624, %dma_wait3A_625] : memref<4096x16xf32, #tpu.memory_space<vmem>> -> memref<128x16xf32, #tpu.memory_space<vmem>>
    %dma_wait3A_627 = arith.constant 0 : i32
    %dma_wait3A_628 = tpu.memref_slice %arg5[%dma_wait3A_623, %dma_wait3A_627] : memref<32x128xi32, #tpu.memory_space<vmem>> -> memref<1x128xi32, #tpu.memory_space<vmem>>
    %dma_wait3A_629 = tpu.memref_squeeze %dma_wait3A_628 : memref<1x128xi32, #tpu.memory_space<vmem>> -> memref<128xi32, #tpu.memory_space<vmem>>
    %dma_wait3A_630 = arith.constant 0 : i32
    %dma_wait3A_631 = arith.constant 0 : i32
    %dma_wait3A_632 = tpu.memref_slice %arg2[%dma_wait3A_630, %dma_wait3A_631] : memref<16384x16xf32, #tpu.memory_space<hbm>> -> memref<16384x16xf32, #tpu.memory_space<hbm>>
    tpu.wait_indirect_dma semaphore(%arg8 : memref<!tpu.dma_semaphore, #tpu.memory_space<semaphore_mem>>) src(%dma_wait3A_632 : memref<16384x16xf32, #tpu.memory_space<hbm>>) dst(%dma_wait3A_626 : memref<128x16xf32, #tpu.memory_space<vmem>>)
    %dma_wait3A_633 = arith.constant 31 : i32
    %dma_wait3A_634 = arith.constant 3968 : i32
    %dma_wait3A_635 = arith.constant 0 : i32
    %dma_wait3A_636 = tpu.memref_slice %arg6[%dma_wait3A_634, %dma_wait3A_635] : memref<4096x16xf32, #tpu.memory_space<vmem>> -> memref<128x16xf32, #tpu.memory_space<vmem>>
    %dma_wait3A_637 = arith.constant 0 : i32
    %dma_wait3A_638 = tpu.memref_slice %arg5[%dma_wait3A_633, %dma_wait3A_637] : memref<32x128xi32, #tpu.memory_space<vmem>> -> memref<1x128xi32, #tpu.memory_space<vmem>>
    %dma_wait3A_639 = tpu.memref_squeeze %dma_wait3A_638 : memref<1x128xi32, #tpu.memory_space<vmem>> -> memref<128xi32, #tpu.memory_space<vmem>>
    %dma_wait3A_640 = arith.constant 0 : i32
    %dma_wait3A_641 = arith.constant 0 : i32
    %dma_wait3A_642 = tpu.memref_slice %arg2[%dma_wait3A_640, %dma_wait3A_641] : memref<16384x16xf32, #tpu.memory_space<hbm>> -> memref<16384x16xf32, #tpu.memory_space<hbm>>
    tpu.wait_indirect_dma semaphore(%arg8 : memref<!tpu.dma_semaphore, #tpu.memory_space<semaphore_mem>>) src(%dma_wait3A_642 : memref<16384x16xf32, #tpu.memory_space<hbm>>) dst(%dma_wait3A_636 : memref<128x16xf32, #tpu.memory_space<vmem>>)
    %iota3A = tpu.iota {dimensions = array<i32: 0>} : vector<16xi32>
    %lt3A = arith.constant 8 : i32
    %lt3A_643 = vector.broadcast %lt3A : i32 to vector<16xi32>
    %lt3A_644 = arith.cmpi slt, %iota3A, %lt3A_643 : vector<16xi32>
    %scan3A = arith.constant 0 : i32
    %scan3A_645 = arith.constant 512 : i32
    %scan3A_646 = arith.addi %scan3A, %scan3A_645 : i32
    %scan3A_647 = arith.constant 1 : i32
    scf.for %scan3A_651 = %scan3A to %scan3A_646 step %scan3A_647  : i32 {
      %get3A = arith.index_cast %scan3A_651 : i32 to index
      %get3A_652 = arith.constant 0 : index
      %get3A_653 = tpu.vector_load %arg7[%get3A, %get3A_652] {strides = array<i32>} : memref<512x16xf32, #tpu.memory_space<vmem>>, vector<1x16xf32>,
      %get3A_654 = vector.shape_cast %get3A_653 : vector<1x16xf32> to vector<16xf32>
      %mul3A_655 = arith.constant 8 : i32
      %mul3A_656 = arith.muli %scan3A_651, %mul3A_655 : i32
      %add3A_657 = arith.constant 0 : i32
      %add3A_658 = arith.addi %mul3A_656, %add3A_657 : i32
      %get3A_659 = arith.index_cast %add3A_658 : i32 to index
      %get3A_660 = arith.constant 0 : index
      %get3A_661 = tpu.vector_load %arg6[%get3A_659, %get3A_660] {strides = array<i32>} : memref<4096x16xf32, #tpu.memory_space<vmem>>, vector<1x16xf32>,
      %get3A_662 = vector.shape_cast %get3A_661 : vector<1x16xf32> to vector<16xf32>
      %sub3A = arith.subf %get3A_662, %get3A_654 : vector<16xf32>
      %select_n3A = arith.select %lt3A_644, %sub3A, %get3A_654 : vector<16xi1>, vector<16xf32>
      %swap3A = arith.index_cast %add3A_658 : i32 to index
      %swap3A_663 = arith.constant 0 : index
      %swap3A_664 = tpu.vector_load %arg6[%swap3A, %swap3A_663] {strides = array<i32>} : memref<4096x16xf32, #tpu.memory_space<vmem>>, vector<1x16xf32>,
      %swap3A_665 = vector.shape_cast %swap3A_664 : vector<1x16xf32> to vector<16xf32>
      %swap3A_666 = vector.shape_cast %select_n3A : vector<16xf32> to vector<1x16xf32>
      tpu.vector_store %arg6[%swap3A, %swap3A_663], %swap3A_666 {strides = array<i32>} : memref<4096x16xf32, #tpu.memory_space<vmem>>, vector<1x16xf32>,
      %mul3A_667 = arith.constant 8 : i32
      %mul3A_668 = arith.muli %scan3A_651, %mul3A_667 : i32
      %add3A_669 = arith.constant 1 : i32
      %add3A_670 = arith.addi %mul3A_668, %add3A_669 : i32
      %get3A_671 = arith.index_cast %add3A_670 : i32 to index
      %get3A_672 = arith.constant 0 : index
      %get3A_673 = tpu.vector_load %arg6[%get3A_671, %get3A_672] {strides = array<i32>} : memref<4096x16xf32, #tpu.memory_space<vmem>>, vector<1x16xf32>,
      %get3A_674 = vector.shape_cast %get3A_673 : vector<1x16xf32> to vector<16xf32>
      %sub3A_675 = arith.subf %get3A_674, %get3A_654 : vector<16xf32>
      %select_n3A_676 = arith.select %lt3A_644, %sub3A_675, %get3A_654 : vector<16xi1>, vector<16xf32>
      %swap3A_677 = arith.index_cast %add3A_670 : i32 to index
      %swap3A_678 = arith.constant 0 : index
      %swap3A_679 = tpu.vector_load %arg6[%swap3A_677, %swap3A_678] {strides = array<i32>} : memref<4096x16xf32, #tpu.memory_space<vmem>>, vector<1x16xf32>,
      %swap3A_680 = vector.shape_cast %swap3A_679 : vector<1x16xf32> to vector<16xf32>
      %swap3A_681 = vector.shape_cast %select_n3A_676 : vector<16xf32> to vector<1x16xf32>
      tpu.vector_store %arg6[%swap3A_677, %swap3A_678], %swap3A_681 {strides = array<i32>} : memref<4096x16xf32, #tpu.memory_space<vmem>>, vector<1x16xf32>,
      %mul3A_682 = arith.constant 8 : i32
      %mul3A_683 = arith.muli %scan3A_651, %mul3A_682 : i32
      %add3A_684 = arith.constant 2 : i32
      %add3A_685 = arith.addi %mul3A_683, %add3A_684 : i32
      %get3A_686 = arith.index_cast %add3A_685 : i32 to index
      %get3A_687 = arith.constant 0 : index
      %get3A_688 = tpu.vector_load %arg6[%get3A_686, %get3A_687] {strides = array<i32>} : memref<4096x16xf32, #tpu.memory_space<vmem>>, vector<1x16xf32>,
      %get3A_689 = vector.shape_cast %get3A_688 : vector<1x16xf32> to vector<16xf32>
      %sub3A_690 = arith.subf %get3A_689, %get3A_654 : vector<16xf32>
      %select_n3A_691 = arith.select %lt3A_644, %sub3A_690, %get3A_654 : vector<16xi1>, vector<16xf32>
      %swap3A_692 = arith.index_cast %add3A_685 : i32 to index
      %swap3A_693 = arith.constant 0 : index
      %swap3A_694 = tpu.vector_load %arg6[%swap3A_692, %swap3A_693] {strides = array<i32>} : memref<4096x16xf32, #tpu.memory_space<vmem>>, vector<1x16xf32>,
      %swap3A_695 = vector.shape_cast %swap3A_694 : vector<1x16xf32> to vector<16xf32>
      %swap3A_696 = vector.shape_cast %select_n3A_691 : vector<16xf32> to vector<1x16xf32>
      tpu.vector_store %arg6[%swap3A_692, %swap3A_693], %swap3A_696 {strides = array<i32>} : memref<4096x16xf32, #tpu.memory_space<vmem>>, vector<1x16xf32>,
      %mul3A_697 = arith.constant 8 : i32
      %mul3A_698 = arith.muli %scan3A_651, %mul3A_697 : i32
      %add3A_699 = arith.constant 3 : i32
      %add3A_700 = arith.addi %mul3A_698, %add3A_699 : i32
      %get3A_701 = arith.index_cast %add3A_700 : i32 to index
      %get3A_702 = arith.constant 0 : index
      %get3A_703 = tpu.vector_load %arg6[%get3A_701, %get3A_702] {strides = array<i32>} : memref<4096x16xf32, #tpu.memory_space<vmem>>, vector<1x16xf32>,
      %get3A_704 = vector.shape_cast %get3A_703 : vector<1x16xf32> to vector<16xf32>
      %sub3A_705 = arith.subf %get3A_704, %get3A_654 : vector<16xf32>
      %select_n3A_706 = arith.select %lt3A_644, %sub3A_705, %get3A_654 : vector<16xi1>, vector<16xf32>
      %swap3A_707 = arith.index_cast %add3A_700 : i32 to index
      %swap3A_708 = arith.constant 0 : index
      %swap3A_709 = tpu.vector_load %arg6[%swap3A_707, %swap3A_708] {strides = array<i32>} : memref<4096x16xf32, #tpu.memory_space<vmem>>, vector<1x16xf32>,
      %swap3A_710 = vector.shape_cast %swap3A_709 : vector<1x16xf32> to vector<16xf32>
      %swap3A_711 = vector.shape_cast %select_n3A_706 : vector<16xf32> to vector<1x16xf32>
      tpu.vector_store %arg6[%swap3A_707, %swap3A_708], %swap3A_711 {strides = array<i32>} : memref<4096x16xf32, #tpu.memory_space<vmem>>, vector<1x16xf32>,
      %mul3A_712 = arith.constant 8 : i32
      %mul3A_713 = arith.muli %scan3A_651, %mul3A_712 : i32
      %add3A_714 = arith.constant 4 : i32
      %add3A_715 = arith.addi %mul3A_713, %add3A_714 : i32
      %get3A_716 = arith.index_cast %add3A_715 : i32 to index
      %get3A_717 = arith.constant 0 : index
      %get3A_718 = tpu.vector_load %arg6[%get3A_716, %get3A_717] {strides = array<i32>} : memref<4096x16xf32, #tpu.memory_space<vmem>>, vector<1x16xf32>,
      %get3A_719 = vector.shape_cast %get3A_718 : vector<1x16xf32> to vector<16xf32>
      %sub3A_720 = arith.subf %get3A_719, %get3A_654 : vector<16xf32>
      %select_n3A_721 = arith.select %lt3A_644, %sub3A_720, %get3A_654 : vector<16xi1>, vector<16xf32>
      %swap3A_722 = arith.index_cast %add3A_715 : i32 to index
      %swap3A_723 = arith.constant 0 : index
      %swap3A_724 = tpu.vector_load %arg6[%swap3A_722, %swap3A_723] {strides = array<i32>} : memref<4096x16xf32, #tpu.memory_space<vmem>>, vector<1x16xf32>,
      %swap3A_725 = vector.shape_cast %swap3A_724 : vector<1x16xf32> to vector<16xf32>
      %swap3A_726 = vector.shape_cast %select_n3A_721 : vector<16xf32> to vector<1x16xf32>
      tpu.vector_store %arg6[%swap3A_722, %swap3A_723], %swap3A_726 {strides = array<i32>} : memref<4096x16xf32, #tpu.memory_space<vmem>>, vector<1x16xf32>,
      %mul3A_727 = arith.constant 8 : i32
      %mul3A_728 = arith.muli %scan3A_651, %mul3A_727 : i32
      %add3A_729 = arith.constant 5 : i32
      %add3A_730 = arith.addi %mul3A_728, %add3A_729 : i32
      %get3A_731 = arith.index_cast %add3A_730 : i32 to index
      %get3A_732 = arith.constant 0 : index
      %get3A_733 = tpu.vector_load %arg6[%get3A_731, %get3A_732] {strides = array<i32>} : memref<4096x16xf32, #tpu.memory_space<vmem>>, vector<1x16xf32>,
      %get3A_734 = vector.shape_cast %get3A_733 : vector<1x16xf32> to vector<16xf32>
      %sub3A_735 = arith.subf %get3A_734, %get3A_654 : vector<16xf32>
      %select_n3A_736 = arith.select %lt3A_644, %sub3A_735, %get3A_654 : vector<16xi1>, vector<16xf32>
      %swap3A_737 = arith.index_cast %add3A_730 : i32 to index
      %swap3A_738 = arith.constant 0 : index
      %swap3A_739 = tpu.vector_load %arg6[%swap3A_737, %swap3A_738] {strides = array<i32>} : memref<4096x16xf32, #tpu.memory_space<vmem>>, vector<1x16xf32>,
      %swap3A_740 = vector.shape_cast %swap3A_739 : vector<1x16xf32> to vector<16xf32>
      %swap3A_741 = vector.shape_cast %select_n3A_736 : vector<16xf32> to vector<1x16xf32>
      tpu.vector_store %arg6[%swap3A_737, %swap3A_738], %swap3A_741 {strides = array<i32>} : memref<4096x16xf32, #tpu.memory_space<vmem>>, vector<1x16xf32>,
      %mul3A_742 = arith.constant 8 : i32
      %mul3A_743 = arith.muli %scan3A_651, %mul3A_742 : i32
      %add3A_744 = arith.constant 6 : i32
      %add3A_745 = arith.addi %mul3A_743, %add3A_744 : i32
      %get3A_746 = arith.index_cast %add3A_745 : i32 to index
      %get3A_747 = arith.constant 0 : index
      %get3A_748 = tpu.vector_load %arg6[%get3A_746, %get3A_747] {strides = array<i32>} : memref<4096x16xf32, #tpu.memory_space<vmem>>, vector<1x16xf32>,
      %get3A_749 = vector.shape_cast %get3A_748 : vector<1x16xf32> to vector<16xf32>
      %sub3A_750 = arith.subf %get3A_749, %get3A_654 : vector<16xf32>
      %select_n3A_751 = arith.select %lt3A_644, %sub3A_750, %get3A_654 : vector<16xi1>, vector<16xf32>
      %swap3A_752 = arith.index_cast %add3A_745 : i32 to index
      %swap3A_753 = arith.constant 0 : index
      %swap3A_754 = tpu.vector_load %arg6[%swap3A_752, %swap3A_753] {strides = array<i32>} : memref<4096x16xf32, #tpu.memory_space<vmem>>, vector<1x16xf32>,
      %swap3A_755 = vector.shape_cast %swap3A_754 : vector<1x16xf32> to vector<16xf32>
      %swap3A_756 = vector.shape_cast %select_n3A_751 : vector<16xf32> to vector<1x16xf32>
      tpu.vector_store %arg6[%swap3A_752, %swap3A_753], %swap3A_756 {strides = array<i32>} : memref<4096x16xf32, #tpu.memory_space<vmem>>, vector<1x16xf32>,
      %mul3A_757 = arith.constant 8 : i32
      %mul3A_758 = arith.muli %scan3A_651, %mul3A_757 : i32
      %add3A_759 = arith.constant 7 : i32
      %add3A_760 = arith.addi %mul3A_758, %add3A_759 : i32
      %get3A_761 = arith.index_cast %add3A_760 : i32 to index
      %get3A_762 = arith.constant 0 : index
      %get3A_763 = tpu.vector_load %arg6[%get3A_761, %get3A_762] {strides = array<i32>} : memref<4096x16xf32, #tpu.memory_space<vmem>>, vector<1x16xf32>,
      %get3A_764 = vector.shape_cast %get3A_763 : vector<1x16xf32> to vector<16xf32>
      %sub3A_765 = arith.subf %get3A_764, %get3A_654 : vector<16xf32>
      %select_n3A_766 = arith.select %lt3A_644, %sub3A_765, %get3A_654 : vector<16xi1>, vector<16xf32>
      %swap3A_767 = arith.index_cast %add3A_760 : i32 to index
      %swap3A_768 = arith.constant 0 : index
      %swap3A_769 = tpu.vector_load %arg6[%swap3A_767, %swap3A_768] {strides = array<i32>} : memref<4096x16xf32, #tpu.memory_space<vmem>>, vector<1x16xf32>,
      %swap3A_770 = vector.shape_cast %swap3A_769 : vector<1x16xf32> to vector<16xf32>
      %swap3A_771 = vector.shape_cast %select_n3A_766 : vector<16xf32> to vector<1x16xf32>
      tpu.vector_store %arg6[%swap3A_767, %swap3A_768], %swap3A_771 {strides = array<i32>} : memref<4096x16xf32, #tpu.memory_space<vmem>>, vector<1x16xf32>,
    }
    %scan3A_648 = arith.constant 512 : i32
    %mul3A_649 = arith.constant 4096 : i32
    %mul3A_650 = arith.muli %add3A, %mul3A_649 : i32
    "tpu.region"() ({
      %run_scoped3A = tpu.sem_alloc : memref<!tpu.dma_semaphore, #tpu.memory_space<semaphore_mem>>
      %dma_start3A_651 = arith.constant 0 : i32
      %dma_start3A_652 = tpu.memref_slice %arg4[%mul3A_650, %dma_start3A_651] : memref<131072x16xf32, #tpu.memory_space<hbm>> -> memref<4096x16xf32, #tpu.memory_space<hbm>>
      %dma_start3A_653 = arith.constant 0 : i32
      %dma_start3A_654 = tpu.memref_slice %arg4[%mul3A_650, %dma_start3A_653] : memref<131072x16xf32, #tpu.memory_space<hbm>> -> memref<4096x16xf32, #tpu.memory_space<hbm>>
      tpu.enqueue_dma source(%arg6 : memref<4096x16xf32, #tpu.memory_space<vmem>>) target(%dma_start3A_654 : memref<4096x16xf32, #tpu.memory_space<hbm>>) target_semaphore(%run_scoped3A : memref<!tpu.dma_semaphore, #tpu.memory_space<semaphore_mem>>)
      %dma_wait3A_655 = arith.constant 0 : i32
      %dma_wait3A_656 = tpu.memref_slice %arg4[%mul3A_650, %dma_wait3A_655] : memref<131072x16xf32, #tpu.memory_space<hbm>> -> memref<4096x16xf32, #tpu.memory_space<hbm>>
      %dma_wait3A_657 = arith.constant 0 : i32
      %dma_wait3A_658 = tpu.memref_slice %arg4[%mul3A_650, %dma_wait3A_657] : memref<131072x16xf32, #tpu.memory_space<hbm>> -> memref<4096x16xf32, #tpu.memory_space<hbm>>
      tpu.wait_dma2 semaphore(%run_scoped3A : memref<!tpu.dma_semaphore, #tpu.memory_space<semaphore_mem>>) src(%arg6 : memref<4096x16xf32, #tpu.memory_space<vmem>>) dst(%dma_wait3A_658 : memref<4096x16xf32, #tpu.memory_space<hbm>>)
      tpu.yield
    }) : () -> ()
    return
  }
}

module attributes {stable_mosaic.version = 14 : i64} {
  func.func @_knn_idx_body(%arg0: i32, %arg1: i32, %arg2: memref<1x256x3xf32, #tpu.memory_space<vmem>>, %arg3: memref<1x3x4096xf32, #tpu.memory_space<vmem>>, %arg4: memref<8x3xf32, #tpu.memory_space<vmem>>, %arg5: memref<1x8xf32, #tpu.memory_space<vmem>>, %arg6: memref<256x16xf32, #tpu.memory_space<vmem>>, %arg7: memref<256x8xi32, #tpu.memory_space<vmem>>) attributes {dimension_semantics = [#tpu.dimension_semantics<arbitrary>, #tpu.dimension_semantics<arbitrary>], iteration_bounds = array<i64: 4, 16>, scalar_prefetch = 0 : i64, scratch_operands = 0 : i64, tpu.core_type = #tpu.core_type<tc>, window_params = [{transform_indices = @transform_0, window_bounds = array<i64: 1, 256, 3>}, {transform_indices = @transform_1, window_bounds = array<i64: 1, 3, 4096>}, {pipeline_mode = #tpu.pipeline_mode<synchronous>, transform_indices = @transform_2, window_bounds = array<i64: 8, 3>}, {pipeline_mode = #tpu.pipeline_mode<synchronous>, transform_indices = @transform_3, window_bounds = array<i64: 1, 8>}, {transform_indices = @transform_4, window_bounds = array<i64: 256, 16>}, {transform_indices = @transform_5, window_bounds = array<i64: 256, 8>}]} {
    %get3A = arith.constant 0 : index
    %get3A_0 = arith.constant 0 : index
    %get3A_1 = arith.constant 0 : index
    %get3A_2 = vector.load %arg2[%get3A, %get3A_0, %get3A_1] : memref<1x256x3xf32, #tpu.memory_space<vmem>>, vector<1x256x3xf32>
    %get3A_3 = vector.shape_cast %get3A_2 : vector<1x256x3xf32> to vector<256x3xf32>
    %get3A_4 = arith.constant 0 : index
    %get3A_5 = arith.constant 0 : index
    %get3A_6 = arith.constant 0 : index
    %get3A_7 = vector.load %arg3[%get3A_4, %get3A_5, %get3A_6] : memref<1x3x4096xf32, #tpu.memory_space<vmem>>, vector<1x3x4096xf32>
    %get3A_8 = vector.shape_cast %get3A_7 : vector<1x3x4096xf32> to vector<3x4096xf32>
    %get3A_9 = arith.constant 0 : index
    %get3A_10 = arith.constant 0 : index
    %get3A_11 = vector.load %arg4[%get3A_9, %get3A_10] : memref<8x3xf32, #tpu.memory_space<vmem>>, vector<8x3xf32>
    %get3A_12 = arith.constant 0 : index
    %get3A_13 = arith.constant 0 : index
    %get3A_14 = vector.load %arg5[%get3A_12, %get3A_13] : memref<1x8xf32, #tpu.memory_space<vmem>>, vector<1x8xf32>
    %mul3A = arith.mulf %get3A_8, %get3A_8 : vector<3x4096xf32>
    %reduce_sum3A = arith.constant dense<0.000000e+00> : vector<4096xf32>
    %reduce_sum3A_15 = vector.multi_reduction <add>, %mul3A, %reduce_sum3A [0] : vector<3x4096xf32> to vector<4096xf32>
    %broadcast_in_dim3A = vector.shape_cast %reduce_sum3A_15 : vector<4096xf32> to vector<1x4096xf32>
    %mul3A_16 = arith.mulf %get3A_3, %get3A_3 : vector<256x3xf32>
    %reduce_sum3A_17 = arith.constant dense<0.000000e+00> : vector<256xf32>
    %reduce_sum3A_18 = vector.multi_reduction <add>, %mul3A_16, %reduce_sum3A_17 [1] : vector<256x3xf32> to vector<256xf32>
    %broadcast_in_dim3A_19 = vector.shape_cast %reduce_sum3A_18 : vector<256xf32> to vector<256x1xf32>
    %dot_general3A = arith.constant dense<0.000000e+00> : vector<256x4096xf32>
    %dot_general3A_20 = tpu.matmul %get3A_3, %get3A_8, %dot_general3A {dimension_numbers = #tpu.dot_dimension_numbers<[1], [0], [0], [1], [0, 0, 1, 1], [], []>, transpose_lhs_hint = false} : vector<256x3xf32>, vector<3x4096xf32>, vector<256x4096xf32> -> vector<256x4096xf32>
    %mul3A_21 = arith.constant 2.000000e+00 : f32
    %mul3A_22 = vector.broadcast %mul3A_21 : f32 to vector<256x4096xf32>
    %mul3A_23 = arith.mulf %mul3A_22, %dot_general3A_20 : vector<256x4096xf32>
    %sub3A = vector.broadcast %broadcast_in_dim3A_19 : vector<256x1xf32> to vector<256x4096xf32>
    %sub3A_24 = arith.subf %sub3A, %mul3A_23 : vector<256x4096xf32>
    %add3A = vector.broadcast %broadcast_in_dim3A : vector<1x4096xf32> to vector<256x4096xf32>
    %add3A_25 = arith.addf %sub3A_24, %add3A : vector<256x4096xf32>
    %dot_general3A_26 = arith.constant dense<0.000000e+00> : vector<256x8xf32>
    %dot_general3A_27 = tpu.matmul %get3A_3, %get3A_11, %dot_general3A_26 {dimension_numbers = #tpu.dot_dimension_numbers<[1], [1], [0], [0], [0, 0, 1, 0], [], []>, precision = #tpu.contract_precision<fp32>, transpose_lhs_hint = false} : vector<256x3xf32>, vector<8x3xf32>, vector<256x8xf32> -> vector<256x8xf32>
    %add3A_28 = vector.broadcast %get3A_14 : vector<1x8xf32> to vector<256x8xf32>
    %add3A_29 = arith.addf %dot_general3A_27, %add3A_28 : vector<256x8xf32>
    %concatenate3A = tpu.concatenate %add3A_29, %add3A_29 in 1 : vector<256x8xf32>, vector<256x8xf32> -> vector<256x16xf32>
    %swap3A = arith.constant 0 : index
    %swap3A_30 = arith.constant 0 : index
    %swap3A_31 = vector.load %arg6[%swap3A, %swap3A_30] : memref<256x16xf32, #tpu.memory_space<vmem>>, vector<256x16xf32>
    tpu.vector_store %arg6[%swap3A, %swap3A_30], %concatenate3A {strides = array<i32>} : memref<256x16xf32, #tpu.memory_space<vmem>>, vector<256x16xf32>,
    %add3A_32 = arith.constant 1.000000e+00 : f32
    %add3A_33 = vector.broadcast %add3A_32 : f32 to vector<256x4096xf32>
    %add3A_34 = arith.addf %add3A_25, %add3A_33 : vector<256x4096xf32>
    %bitcast_convert_type3A = tpu.bitcast %add3A_34 : vector<256x4096xf32> -> vector<256x4096xi32>
    %and3A = arith.constant -32 : i32
    %and3A_35 = vector.broadcast %and3A : i32 to vector<256x4096xi32>
    %and3A_36 = arith.andi %bitcast_convert_type3A, %and3A_35 : vector<256x4096xi32>
    %broadcast_in_dim3A_37 = arith.constant 3.000000e+38 : f32
    %broadcast_in_dim3A_38 = vector.broadcast %broadcast_in_dim3A_37 : f32 to vector<256x128xf32>
    %broadcast_in_dim3A_39 = arith.constant 3.000000e+38 : f32
    %broadcast_in_dim3A_40 = vector.broadcast %broadcast_in_dim3A_39 : f32 to vector<256x128xf32>
    %broadcast_in_dim3A_41 = arith.constant 3.000000e+38 : f32
    %broadcast_in_dim3A_42 = vector.broadcast %broadcast_in_dim3A_41 : f32 to vector<256x128xf32>
    %broadcast_in_dim3A_43 = arith.constant 3.000000e+38 : f32
    %broadcast_in_dim3A_44 = vector.broadcast %broadcast_in_dim3A_43 : f32 to vector<256x128xf32>
    %slice3A = vector.extract_strided_slice %and3A_36 {offsets = [0, 0], sizes = [256, 128], strides = [1, 1]} : vector<256x4096xi32> to vector<256x128xi32>
    %or3A = arith.constant 0 : i32
    %or3A_45 = vector.broadcast %or3A : i32 to vector<256x128xi32>
    %or3A_46 = arith.ori %slice3A, %or3A_45 : vector<256x128xi32>
    %bitcast_convert_type3A_47 = tpu.bitcast %or3A_46 : vector<256x128xi32> -> vector<256x128xf32>
    %min3A = arith.minimumf %broadcast_in_dim3A_38, %bitcast_convert_type3A_47 : vector<256x128xf32>
    %max3A = arith.maximumf %broadcast_in_dim3A_38, %bitcast_convert_type3A_47 : vector<256x128xf32>
    %min3A_48 = arith.minimumf %broadcast_in_dim3A_40, %max3A : vector<256x128xf32>
    %max3A_49 = arith.maximumf %broadcast_in_dim3A_40, %max3A : vector<256x128xf32>
    %min3A_50 = arith.minimumf %broadcast_in_dim3A_42, %max3A_49 : vector<256x128xf32>
    %max3A_51 = arith.maximumf %broadcast_in_dim3A_42, %max3A_49 : vector<256x128xf32>
    %min3A_52 = arith.minimumf %broadcast_in_dim3A_44, %max3A_51 : vector<256x128xf32>
    %slice3A_53 = vector.extract_strided_slice %and3A_36 {offsets = [0, 128], sizes = [256, 128], strides = [1, 1]} : vector<256x4096xi32> to vector<256x128xi32>
    %or3A_54 = arith.constant 1 : i32
    %or3A_55 = vector.broadcast %or3A_54 : i32 to vector<256x128xi32>
    %or3A_56 = arith.ori %slice3A_53, %or3A_55 : vector<256x128xi32>
    %bitcast_convert_type3A_57 = tpu.bitcast %or3A_56 : vector<256x128xi32> -> vector<256x128xf32>
    %min3A_58 = arith.minimumf %min3A, %bitcast_convert_type3A_57 : vector<256x128xf32>
    %max3A_59 = arith.maximumf %min3A, %bitcast_convert_type3A_57 : vector<256x128xf32>
    %min3A_60 = arith.minimumf %min3A_48, %max3A_59 : vector<256x128xf32>
    %max3A_61 = arith.maximumf %min3A_48, %max3A_59 : vector<256x128xf32>
    %min3A_62 = arith.minimumf %min3A_50, %max3A_61 : vector<256x128xf32>
    %max3A_63 = arith.maximumf %min3A_50, %max3A_61 : vector<256x128xf32>
    %min3A_64 = arith.minimumf %min3A_52, %max3A_63 : vector<256x128xf32>
    %slice3A_65 = vector.extract_strided_slice %and3A_36 {offsets = [0, 256], sizes = [256, 128], strides = [1, 1]} : vector<256x4096xi32> to vector<256x128xi32>
    %or3A_66 = arith.constant 2 : i32
    %or3A_67 = vector.broadcast %or3A_66 : i32 to vector<256x128xi32>
    %or3A_68 = arith.ori %slice3A_65, %or3A_67 : vector<256x128xi32>
    %bitcast_convert_type3A_69 = tpu.bitcast %or3A_68 : vector<256x128xi32> -> vector<256x128xf32>
    %min3A_70 = arith.minimumf %min3A_58, %bitcast_convert_type3A_69 : vector<256x128xf32>
    %max3A_71 = arith.maximumf %min3A_58, %bitcast_convert_type3A_69 : vector<256x128xf32>
    %min3A_72 = arith.minimumf %min3A_60, %max3A_71 : vector<256x128xf32>
    %max3A_73 = arith.maximumf %min3A_60, %max3A_71 : vector<256x128xf32>
    %min3A_74 = arith.minimumf %min3A_62, %max3A_73 : vector<256x128xf32>
    %max3A_75 = arith.maximumf %min3A_62, %max3A_73 : vector<256x128xf32>
    %min3A_76 = arith.minimumf %min3A_64, %max3A_75 : vector<256x128xf32>
    %slice3A_77 = vector.extract_strided_slice %and3A_36 {offsets = [0, 384], sizes = [256, 128], strides = [1, 1]} : vector<256x4096xi32> to vector<256x128xi32>
    %or3A_78 = arith.constant 3 : i32
    %or3A_79 = vector.broadcast %or3A_78 : i32 to vector<256x128xi32>
    %or3A_80 = arith.ori %slice3A_77, %or3A_79 : vector<256x128xi32>
    %bitcast_convert_type3A_81 = tpu.bitcast %or3A_80 : vector<256x128xi32> -> vector<256x128xf32>
    %min3A_82 = arith.minimumf %min3A_70, %bitcast_convert_type3A_81 : vector<256x128xf32>
    %max3A_83 = arith.maximumf %min3A_70, %bitcast_convert_type3A_81 : vector<256x128xf32>
    %min3A_84 = arith.minimumf %min3A_72, %max3A_83 : vector<256x128xf32>
    %max3A_85 = arith.maximumf %min3A_72, %max3A_83 : vector<256x128xf32>
    %min3A_86 = arith.minimumf %min3A_74, %max3A_85 : vector<256x128xf32>
    %max3A_87 = arith.maximumf %min3A_74, %max3A_85 : vector<256x128xf32>
    %min3A_88 = arith.minimumf %min3A_76, %max3A_87 : vector<256x128xf32>
    %slice3A_89 = vector.extract_strided_slice %and3A_36 {offsets = [0, 512], sizes = [256, 128], strides = [1, 1]} : vector<256x4096xi32> to vector<256x128xi32>
    %or3A_90 = arith.constant 4 : i32
    %or3A_91 = vector.broadcast %or3A_90 : i32 to vector<256x128xi32>
    %or3A_92 = arith.ori %slice3A_89, %or3A_91 : vector<256x128xi32>
    %bitcast_convert_type3A_93 = tpu.bitcast %or3A_92 : vector<256x128xi32> -> vector<256x128xf32>
    %min3A_94 = arith.minimumf %min3A_82, %bitcast_convert_type3A_93 : vector<256x128xf32>
    %max3A_95 = arith.maximumf %min3A_82, %bitcast_convert_type3A_93 : vector<256x128xf32>
    %min3A_96 = arith.minimumf %min3A_84, %max3A_95 : vector<256x128xf32>
    %max3A_97 = arith.maximumf %min3A_84, %max3A_95 : vector<256x128xf32>
    %min3A_98 = arith.minimumf %min3A_86, %max3A_97 : vector<256x128xf32>
    %max3A_99 = arith.maximumf %min3A_86, %max3A_97 : vector<256x128xf32>
    %min3A_100 = arith.minimumf %min3A_88, %max3A_99 : vector<256x128xf32>
    %slice3A_101 = vector.extract_strided_slice %and3A_36 {offsets = [0, 640], sizes = [256, 128], strides = [1, 1]} : vector<256x4096xi32> to vector<256x128xi32>
    %or3A_102 = arith.constant 5 : i32
    %or3A_103 = vector.broadcast %or3A_102 : i32 to vector<256x128xi32>
    %or3A_104 = arith.ori %slice3A_101, %or3A_103 : vector<256x128xi32>
    %bitcast_convert_type3A_105 = tpu.bitcast %or3A_104 : vector<256x128xi32> -> vector<256x128xf32>
    %min3A_106 = arith.minimumf %min3A_94, %bitcast_convert_type3A_105 : vector<256x128xf32>
    %max3A_107 = arith.maximumf %min3A_94, %bitcast_convert_type3A_105 : vector<256x128xf32>
    %min3A_108 = arith.minimumf %min3A_96, %max3A_107 : vector<256x128xf32>
    %max3A_109 = arith.maximumf %min3A_96, %max3A_107 : vector<256x128xf32>
    %min3A_110 = arith.minimumf %min3A_98, %max3A_109 : vector<256x128xf32>
    %max3A_111 = arith.maximumf %min3A_98, %max3A_109 : vector<256x128xf32>
    %min3A_112 = arith.minimumf %min3A_100, %max3A_111 : vector<256x128xf32>
    %slice3A_113 = vector.extract_strided_slice %and3A_36 {offsets = [0, 768], sizes = [256, 128], strides = [1, 1]} : vector<256x4096xi32> to vector<256x128xi32>
    %or3A_114 = arith.constant 6 : i32
    %or3A_115 = vector.broadcast %or3A_114 : i32 to vector<256x128xi32>
    %or3A_116 = arith.ori %slice3A_113, %or3A_115 : vector<256x128xi32>
    %bitcast_convert_type3A_117 = tpu.bitcast %or3A_116 : vector<256x128xi32> -> vector<256x128xf32>
    %min3A_118 = arith.minimumf %min3A_106, %bitcast_convert_type3A_117 : vector<256x128xf32>
    %max3A_119 = arith.maximumf %min3A_106, %bitcast_convert_type3A_117 : vector<256x128xf32>
    %min3A_120 = arith.minimumf %min3A_108, %max3A_119 : vector<256x128xf32>
    %max3A_121 = arith.maximumf %min3A_108, %max3A_119 : vector<256x128xf32>
    %min3A_122 = arith.minimumf %min3A_110, %max3A_121 : vector<256x128xf32>
    %max3A_123 = arith.maximumf %min3A_110, %max3A_121 : vector<256x128xf32>
    %min3A_124 = arith.minimumf %min3A_112, %max3A_123 : vector<256x128xf32>
    %slice3A_125 = vector.extract_strided_slice %and3A_36 {offsets = [0, 896], sizes = [256, 128], strides = [1, 1]} : vector<256x4096xi32> to vector<256x128xi32>
    %or3A_126 = arith.constant 7 : i32
    %or3A_127 = vector.broadcast %or3A_126 : i32 to vector<256x128xi32>
    %or3A_128 = arith.ori %slice3A_125, %or3A_127 : vector<256x128xi32>
    %bitcast_convert_type3A_129 = tpu.bitcast %or3A_128 : vector<256x128xi32> -> vector<256x128xf32>
    %min3A_130 = arith.minimumf %min3A_118, %bitcast_convert_type3A_129 : vector<256x128xf32>
    %max3A_131 = arith.maximumf %min3A_118, %bitcast_convert_type3A_129 : vector<256x128xf32>
    %min3A_132 = arith.minimumf %min3A_120, %max3A_131 : vector<256x128xf32>
    %max3A_133 = arith.maximumf %min3A_120, %max3A_131 : vector<256x128xf32>
    %min3A_134 = arith.minimumf %min3A_122, %max3A_133 : vector<256x128xf32>
    %max3A_135 = arith.maximumf %min3A_122, %max3A_133 : vector<256x128xf32>
    %min3A_136 = arith.minimumf %min3A_124, %max3A_135 : vector<256x128xf32>
    %slice3A_137 = vector.extract_strided_slice %and3A_36 {offsets = [0, 1024], sizes = [256, 128], strides = [1, 1]} : vector<256x4096xi32> to vector<256x128xi32>
    %or3A_138 = arith.constant 8 : i32
    %or3A_139 = vector.broadcast %or3A_138 : i32 to vector<256x128xi32>
    %or3A_140 = arith.ori %slice3A_137, %or3A_139 : vector<256x128xi32>
    %bitcast_convert_type3A_141 = tpu.bitcast %or3A_140 : vector<256x128xi32> -> vector<256x128xf32>
    %min3A_142 = arith.minimumf %min3A_130, %bitcast_convert_type3A_141 : vector<256x128xf32>
    %max3A_143 = arith.maximumf %min3A_130, %bitcast_convert_type3A_141 : vector<256x128xf32>
    %min3A_144 = arith.minimumf %min3A_132, %max3A_143 : vector<256x128xf32>
    %max3A_145 = arith.maximumf %min3A_132, %max3A_143 : vector<256x128xf32>
    %min3A_146 = arith.minimumf %min3A_134, %max3A_145 : vector<256x128xf32>
    %max3A_147 = arith.maximumf %min3A_134, %max3A_145 : vector<256x128xf32>
    %min3A_148 = arith.minimumf %min3A_136, %max3A_147 : vector<256x128xf32>
    %slice3A_149 = vector.extract_strided_slice %and3A_36 {offsets = [0, 1152], sizes = [256, 128], strides = [1, 1]} : vector<256x4096xi32> to vector<256x128xi32>
    %or3A_150 = arith.constant 9 : i32
    %or3A_151 = vector.broadcast %or3A_150 : i32 to vector<256x128xi32>
    %or3A_152 = arith.ori %slice3A_149, %or3A_151 : vector<256x128xi32>
    %bitcast_convert_type3A_153 = tpu.bitcast %or3A_152 : vector<256x128xi32> -> vector<256x128xf32>
    %min3A_154 = arith.minimumf %min3A_142, %bitcast_convert_type3A_153 : vector<256x128xf32>
    %max3A_155 = arith.maximumf %min3A_142, %bitcast_convert_type3A_153 : vector<256x128xf32>
    %min3A_156 = arith.minimumf %min3A_144, %max3A_155 : vector<256x128xf32>
    %max3A_157 = arith.maximumf %min3A_144, %max3A_155 : vector<256x128xf32>
    %min3A_158 = arith.minimumf %min3A_146, %max3A_157 : vector<256x128xf32>
    %max3A_159 = arith.maximumf %min3A_146, %max3A_157 : vector<256x128xf32>
    %min3A_160 = arith.minimumf %min3A_148, %max3A_159 : vector<256x128xf32>
    %slice3A_161 = vector.extract_strided_slice %and3A_36 {offsets = [0, 1280], sizes = [256, 128], strides = [1, 1]} : vector<256x4096xi32> to vector<256x128xi32>
    %or3A_162 = arith.constant 10 : i32
    %or3A_163 = vector.broadcast %or3A_162 : i32 to vector<256x128xi32>
    %or3A_164 = arith.ori %slice3A_161, %or3A_163 : vector<256x128xi32>
    %bitcast_convert_type3A_165 = tpu.bitcast %or3A_164 : vector<256x128xi32> -> vector<256x128xf32>
    %min3A_166 = arith.minimumf %min3A_154, %bitcast_convert_type3A_165 : vector<256x128xf32>
    %max3A_167 = arith.maximumf %min3A_154, %bitcast_convert_type3A_165 : vector<256x128xf32>
    %min3A_168 = arith.minimumf %min3A_156, %max3A_167 : vector<256x128xf32>
    %max3A_169 = arith.maximumf %min3A_156, %max3A_167 : vector<256x128xf32>
    %min3A_170 = arith.minimumf %min3A_158, %max3A_169 : vector<256x128xf32>
    %max3A_171 = arith.maximumf %min3A_158, %max3A_169 : vector<256x128xf32>
    %min3A_172 = arith.minimumf %min3A_160, %max3A_171 : vector<256x128xf32>
    %slice3A_173 = vector.extract_strided_slice %and3A_36 {offsets = [0, 1408], sizes = [256, 128], strides = [1, 1]} : vector<256x4096xi32> to vector<256x128xi32>
    %or3A_174 = arith.constant 11 : i32
    %or3A_175 = vector.broadcast %or3A_174 : i32 to vector<256x128xi32>
    %or3A_176 = arith.ori %slice3A_173, %or3A_175 : vector<256x128xi32>
    %bitcast_convert_type3A_177 = tpu.bitcast %or3A_176 : vector<256x128xi32> -> vector<256x128xf32>
    %min3A_178 = arith.minimumf %min3A_166, %bitcast_convert_type3A_177 : vector<256x128xf32>
    %max3A_179 = arith.maximumf %min3A_166, %bitcast_convert_type3A_177 : vector<256x128xf32>
    %min3A_180 = arith.minimumf %min3A_168, %max3A_179 : vector<256x128xf32>
    %max3A_181 = arith.maximumf %min3A_168, %max3A_179 : vector<256x128xf32>
    %min3A_182 = arith.minimumf %min3A_170, %max3A_181 : vector<256x128xf32>
    %max3A_183 = arith.maximumf %min3A_170, %max3A_181 : vector<256x128xf32>
    %min3A_184 = arith.minimumf %min3A_172, %max3A_183 : vector<256x128xf32>
    %slice3A_185 = vector.extract_strided_slice %and3A_36 {offsets = [0, 1536], sizes = [256, 128], strides = [1, 1]} : vector<256x4096xi32> to vector<256x128xi32>
    %or3A_186 = arith.constant 12 : i32
    %or3A_187 = vector.broadcast %or3A_186 : i32 to vector<256x128xi32>
    %or3A_188 = arith.ori %slice3A_185, %or3A_187 : vector<256x128xi32>
    %bitcast_convert_type3A_189 = tpu.bitcast %or3A_188 : vector<256x128xi32> -> vector<256x128xf32>
    %min3A_190 = arith.minimumf %min3A_178, %bitcast_convert_type3A_189 : vector<256x128xf32>
    %max3A_191 = arith.maximumf %min3A_178, %bitcast_convert_type3A_189 : vector<256x128xf32>
    %min3A_192 = arith.minimumf %min3A_180, %max3A_191 : vector<256x128xf32>
    %max3A_193 = arith.maximumf %min3A_180, %max3A_191 : vector<256x128xf32>
    %min3A_194 = arith.minimumf %min3A_182, %max3A_193 : vector<256x128xf32>
    %max3A_195 = arith.maximumf %min3A_182, %max3A_193 : vector<256x128xf32>
    %min3A_196 = arith.minimumf %min3A_184, %max3A_195 : vector<256x128xf32>
    %slice3A_197 = vector.extract_strided_slice %and3A_36 {offsets = [0, 1664], sizes = [256, 128], strides = [1, 1]} : vector<256x4096xi32> to vector<256x128xi32>
    %or3A_198 = arith.constant 13 : i32
    %or3A_199 = vector.broadcast %or3A_198 : i32 to vector<256x128xi32>
    %or3A_200 = arith.ori %slice3A_197, %or3A_199 : vector<256x128xi32>
    %bitcast_convert_type3A_201 = tpu.bitcast %or3A_200 : vector<256x128xi32> -> vector<256x128xf32>
    %min3A_202 = arith.minimumf %min3A_190, %bitcast_convert_type3A_201 : vector<256x128xf32>
    %max3A_203 = arith.maximumf %min3A_190, %bitcast_convert_type3A_201 : vector<256x128xf32>
    %min3A_204 = arith.minimumf %min3A_192, %max3A_203 : vector<256x128xf32>
    %max3A_205 = arith.maximumf %min3A_192, %max3A_203 : vector<256x128xf32>
    %min3A_206 = arith.minimumf %min3A_194, %max3A_205 : vector<256x128xf32>
    %max3A_207 = arith.maximumf %min3A_194, %max3A_205 : vector<256x128xf32>
    %min3A_208 = arith.minimumf %min3A_196, %max3A_207 : vector<256x128xf32>
    %slice3A_209 = vector.extract_strided_slice %and3A_36 {offsets = [0, 1792], sizes = [256, 128], strides = [1, 1]} : vector<256x4096xi32> to vector<256x128xi32>
    %or3A_210 = arith.constant 14 : i32
    %or3A_211 = vector.broadcast %or3A_210 : i32 to vector<256x128xi32>
    %or3A_212 = arith.ori %slice3A_209, %or3A_211 : vector<256x128xi32>
    %bitcast_convert_type3A_213 = tpu.bitcast %or3A_212 : vector<256x128xi32> -> vector<256x128xf32>
    %min3A_214 = arith.minimumf %min3A_202, %bitcast_convert_type3A_213 : vector<256x128xf32>
    %max3A_215 = arith.maximumf %min3A_202, %bitcast_convert_type3A_213 : vector<256x128xf32>
    %min3A_216 = arith.minimumf %min3A_204, %max3A_215 : vector<256x128xf32>
    %max3A_217 = arith.maximumf %min3A_204, %max3A_215 : vector<256x128xf32>
    %min3A_218 = arith.minimumf %min3A_206, %max3A_217 : vector<256x128xf32>
    %max3A_219 = arith.maximumf %min3A_206, %max3A_217 : vector<256x128xf32>
    %min3A_220 = arith.minimumf %min3A_208, %max3A_219 : vector<256x128xf32>
    %slice3A_221 = vector.extract_strided_slice %and3A_36 {offsets = [0, 1920], sizes = [256, 128], strides = [1, 1]} : vector<256x4096xi32> to vector<256x128xi32>
    %or3A_222 = arith.constant 15 : i32
    %or3A_223 = vector.broadcast %or3A_222 : i32 to vector<256x128xi32>
    %or3A_224 = arith.ori %slice3A_221, %or3A_223 : vector<256x128xi32>
    %bitcast_convert_type3A_225 = tpu.bitcast %or3A_224 : vector<256x128xi32> -> vector<256x128xf32>
    %min3A_226 = arith.minimumf %min3A_214, %bitcast_convert_type3A_225 : vector<256x128xf32>
    %max3A_227 = arith.maximumf %min3A_214, %bitcast_convert_type3A_225 : vector<256x128xf32>
    %min3A_228 = arith.minimumf %min3A_216, %max3A_227 : vector<256x128xf32>
    %max3A_229 = arith.maximumf %min3A_216, %max3A_227 : vector<256x128xf32>
    %min3A_230 = arith.minimumf %min3A_218, %max3A_229 : vector<256x128xf32>
    %max3A_231 = arith.maximumf %min3A_218, %max3A_229 : vector<256x128xf32>
    %min3A_232 = arith.minimumf %min3A_220, %max3A_231 : vector<256x128xf32>
    %slice3A_233 = vector.extract_strided_slice %and3A_36 {offsets = [0, 2048], sizes = [256, 128], strides = [1, 1]} : vector<256x4096xi32> to vector<256x128xi32>
    %or3A_234 = arith.constant 16 : i32
    %or3A_235 = vector.broadcast %or3A_234 : i32 to vector<256x128xi32>
    %or3A_236 = arith.ori %slice3A_233, %or3A_235 : vector<256x128xi32>
    %bitcast_convert_type3A_237 = tpu.bitcast %or3A_236 : vector<256x128xi32> -> vector<256x128xf32>
    %min3A_238 = arith.minimumf %min3A_226, %bitcast_convert_type3A_237 : vector<256x128xf32>
    %max3A_239 = arith.maximumf %min3A_226, %bitcast_convert_type3A_237 : vector<256x128xf32>
    %min3A_240 = arith.minimumf %min3A_228, %max3A_239 : vector<256x128xf32>
    %max3A_241 = arith.maximumf %min3A_228, %max3A_239 : vector<256x128xf32>
    %min3A_242 = arith.minimumf %min3A_230, %max3A_241 : vector<256x128xf32>
    %max3A_243 = arith.maximumf %min3A_230, %max3A_241 : vector<256x128xf32>
    %min3A_244 = arith.minimumf %min3A_232, %max3A_243 : vector<256x128xf32>
    %slice3A_245 = vector.extract_strided_slice %and3A_36 {offsets = [0, 2176], sizes = [256, 128], strides = [1, 1]} : vector<256x4096xi32> to vector<256x128xi32>
    %or3A_246 = arith.constant 17 : i32
    %or3A_247 = vector.broadcast %or3A_246 : i32 to vector<256x128xi32>
    %or3A_248 = arith.ori %slice3A_245, %or3A_247 : vector<256x128xi32>
    %bitcast_convert_type3A_249 = tpu.bitcast %or3A_248 : vector<256x128xi32> -> vector<256x128xf32>
    %min3A_250 = arith.minimumf %min3A_238, %bitcast_convert_type3A_249 : vector<256x128xf32>
    %max3A_251 = arith.maximumf %min3A_238, %bitcast_convert_type3A_249 : vector<256x128xf32>
    %min3A_252 = arith.minimumf %min3A_240, %max3A_251 : vector<256x128xf32>
    %max3A_253 = arith.maximumf %min3A_240, %max3A_251 : vector<256x128xf32>
    %min3A_254 = arith.minimumf %min3A_242, %max3A_253 : vector<256x128xf32>
    %max3A_255 = arith.maximumf %min3A_242, %max3A_253 : vector<256x128xf32>
    %min3A_256 = arith.minimumf %min3A_244, %max3A_255 : vector<256x128xf32>
    %slice3A_257 = vector.extract_strided_slice %and3A_36 {offsets = [0, 2304], sizes = [256, 128], strides = [1, 1]} : vector<256x4096xi32> to vector<256x128xi32>
    %or3A_258 = arith.constant 18 : i32
    %or3A_259 = vector.broadcast %or3A_258 : i32 to vector<256x128xi32>
    %or3A_260 = arith.ori %slice3A_257, %or3A_259 : vector<256x128xi32>
    %bitcast_convert_type3A_261 = tpu.bitcast %or3A_260 : vector<256x128xi32> -> vector<256x128xf32>
    %min3A_262 = arith.minimumf %min3A_250, %bitcast_convert_type3A_261 : vector<256x128xf32>
    %max3A_263 = arith.maximumf %min3A_250, %bitcast_convert_type3A_261 : vector<256x128xf32>
    %min3A_264 = arith.minimumf %min3A_252, %max3A_263 : vector<256x128xf32>
    %max3A_265 = arith.maximumf %min3A_252, %max3A_263 : vector<256x128xf32>
    %min3A_266 = arith.minimumf %min3A_254, %max3A_265 : vector<256x128xf32>
    %max3A_267 = arith.maximumf %min3A_254, %max3A_265 : vector<256x128xf32>
    %min3A_268 = arith.minimumf %min3A_256, %max3A_267 : vector<256x128xf32>
    %slice3A_269 = vector.extract_strided_slice %and3A_36 {offsets = [0, 2432], sizes = [256, 128], strides = [1, 1]} : vector<256x4096xi32> to vector<256x128xi32>
    %or3A_270 = arith.constant 19 : i32
    %or3A_271 = vector.broadcast %or3A_270 : i32 to vector<256x128xi32>
    %or3A_272 = arith.ori %slice3A_269, %or3A_271 : vector<256x128xi32>
    %bitcast_convert_type3A_273 = tpu.bitcast %or3A_272 : vector<256x128xi32> -> vector<256x128xf32>
    %min3A_274 = arith.minimumf %min3A_262, %bitcast_convert_type3A_273 : vector<256x128xf32>
    %max3A_275 = arith.maximumf %min3A_262, %bitcast_convert_type3A_273 : vector<256x128xf32>
    %min3A_276 = arith.minimumf %min3A_264, %max3A_275 : vector<256x128xf32>
    %max3A_277 = arith.maximumf %min3A_264, %max3A_275 : vector<256x128xf32>
    %min3A_278 = arith.minimumf %min3A_266, %max3A_277 : vector<256x128xf32>
    %max3A_279 = arith.maximumf %min3A_266, %max3A_277 : vector<256x128xf32>
    %min3A_280 = arith.minimumf %min3A_268, %max3A_279 : vector<256x128xf32>
    %slice3A_281 = vector.extract_strided_slice %and3A_36 {offsets = [0, 2560], sizes = [256, 128], strides = [1, 1]} : vector<256x4096xi32> to vector<256x128xi32>
    %or3A_282 = arith.constant 20 : i32
    %or3A_283 = vector.broadcast %or3A_282 : i32 to vector<256x128xi32>
    %or3A_284 = arith.ori %slice3A_281, %or3A_283 : vector<256x128xi32>
    %bitcast_convert_type3A_285 = tpu.bitcast %or3A_284 : vector<256x128xi32> -> vector<256x128xf32>
    %min3A_286 = arith.minimumf %min3A_274, %bitcast_convert_type3A_285 : vector<256x128xf32>
    %max3A_287 = arith.maximumf %min3A_274, %bitcast_convert_type3A_285 : vector<256x128xf32>
    %min3A_288 = arith.minimumf %min3A_276, %max3A_287 : vector<256x128xf32>
    %max3A_289 = arith.maximumf %min3A_276, %max3A_287 : vector<256x128xf32>
    %min3A_290 = arith.minimumf %min3A_278, %max3A_289 : vector<256x128xf32>
    %max3A_291 = arith.maximumf %min3A_278, %max3A_289 : vector<256x128xf32>
    %min3A_292 = arith.minimumf %min3A_280, %max3A_291 : vector<256x128xf32>
    %slice3A_293 = vector.extract_strided_slice %and3A_36 {offsets = [0, 2688], sizes = [256, 128], strides = [1, 1]} : vector<256x4096xi32> to vector<256x128xi32>
    %or3A_294 = arith.constant 21 : i32
    %or3A_295 = vector.broadcast %or3A_294 : i32 to vector<256x128xi32>
    %or3A_296 = arith.ori %slice3A_293, %or3A_295 : vector<256x128xi32>
    %bitcast_convert_type3A_297 = tpu.bitcast %or3A_296 : vector<256x128xi32> -> vector<256x128xf32>
    %min3A_298 = arith.minimumf %min3A_286, %bitcast_convert_type3A_297 : vector<256x128xf32>
    %max3A_299 = arith.maximumf %min3A_286, %bitcast_convert_type3A_297 : vector<256x128xf32>
    %min3A_300 = arith.minimumf %min3A_288, %max3A_299 : vector<256x128xf32>
    %max3A_301 = arith.maximumf %min3A_288, %max3A_299 : vector<256x128xf32>
    %min3A_302 = arith.minimumf %min3A_290, %max3A_301 : vector<256x128xf32>
    %max3A_303 = arith.maximumf %min3A_290, %max3A_301 : vector<256x128xf32>
    %min3A_304 = arith.minimumf %min3A_292, %max3A_303 : vector<256x128xf32>
    %slice3A_305 = vector.extract_strided_slice %and3A_36 {offsets = [0, 2816], sizes = [256, 128], strides = [1, 1]} : vector<256x4096xi32> to vector<256x128xi32>
    %or3A_306 = arith.constant 22 : i32
    %or3A_307 = vector.broadcast %or3A_306 : i32 to vector<256x128xi32>
    %or3A_308 = arith.ori %slice3A_305, %or3A_307 : vector<256x128xi32>
    %bitcast_convert_type3A_309 = tpu.bitcast %or3A_308 : vector<256x128xi32> -> vector<256x128xf32>
    %min3A_310 = arith.minimumf %min3A_298, %bitcast_convert_type3A_309 : vector<256x128xf32>
    %max3A_311 = arith.maximumf %min3A_298, %bitcast_convert_type3A_309 : vector<256x128xf32>
    %min3A_312 = arith.minimumf %min3A_300, %max3A_311 : vector<256x128xf32>
    %max3A_313 = arith.maximumf %min3A_300, %max3A_311 : vector<256x128xf32>
    %min3A_314 = arith.minimumf %min3A_302, %max3A_313 : vector<256x128xf32>
    %max3A_315 = arith.maximumf %min3A_302, %max3A_313 : vector<256x128xf32>
    %min3A_316 = arith.minimumf %min3A_304, %max3A_315 : vector<256x128xf32>
    %slice3A_317 = vector.extract_strided_slice %and3A_36 {offsets = [0, 2944], sizes = [256, 128], strides = [1, 1]} : vector<256x4096xi32> to vector<256x128xi32>
    %or3A_318 = arith.constant 23 : i32
    %or3A_319 = vector.broadcast %or3A_318 : i32 to vector<256x128xi32>
    %or3A_320 = arith.ori %slice3A_317, %or3A_319 : vector<256x128xi32>
    %bitcast_convert_type3A_321 = tpu.bitcast %or3A_320 : vector<256x128xi32> -> vector<256x128xf32>
    %min3A_322 = arith.minimumf %min3A_310, %bitcast_convert_type3A_321 : vector<256x128xf32>
    %max3A_323 = arith.maximumf %min3A_310, %bitcast_convert_type3A_321 : vector<256x128xf32>
    %min3A_324 = arith.minimumf %min3A_312, %max3A_323 : vector<256x128xf32>
    %max3A_325 = arith.maximumf %min3A_312, %max3A_323 : vector<256x128xf32>
    %min3A_326 = arith.minimumf %min3A_314, %max3A_325 : vector<256x128xf32>
    %max3A_327 = arith.maximumf %min3A_314, %max3A_325 : vector<256x128xf32>
    %min3A_328 = arith.minimumf %min3A_316, %max3A_327 : vector<256x128xf32>
    %slice3A_329 = vector.extract_strided_slice %and3A_36 {offsets = [0, 3072], sizes = [256, 128], strides = [1, 1]} : vector<256x4096xi32> to vector<256x128xi32>
    %or3A_330 = arith.constant 24 : i32
    %or3A_331 = vector.broadcast %or3A_330 : i32 to vector<256x128xi32>
    %or3A_332 = arith.ori %slice3A_329, %or3A_331 : vector<256x128xi32>
    %bitcast_convert_type3A_333 = tpu.bitcast %or3A_332 : vector<256x128xi32> -> vector<256x128xf32>
    %min3A_334 = arith.minimumf %min3A_322, %bitcast_convert_type3A_333 : vector<256x128xf32>
    %max3A_335 = arith.maximumf %min3A_322, %bitcast_convert_type3A_333 : vector<256x128xf32>
    %min3A_336 = arith.minimumf %min3A_324, %max3A_335 : vector<256x128xf32>
    %max3A_337 = arith.maximumf %min3A_324, %max3A_335 : vector<256x128xf32>
    %min3A_338 = arith.minimumf %min3A_326, %max3A_337 : vector<256x128xf32>
    %max3A_339 = arith.maximumf %min3A_326, %max3A_337 : vector<256x128xf32>
    %min3A_340 = arith.minimumf %min3A_328, %max3A_339 : vector<256x128xf32>
    %slice3A_341 = vector.extract_strided_slice %and3A_36 {offsets = [0, 3200], sizes = [256, 128], strides = [1, 1]} : vector<256x4096xi32> to vector<256x128xi32>
    %or3A_342 = arith.constant 25 : i32
    %or3A_343 = vector.broadcast %or3A_342 : i32 to vector<256x128xi32>
    %or3A_344 = arith.ori %slice3A_341, %or3A_343 : vector<256x128xi32>
    %bitcast_convert_type3A_345 = tpu.bitcast %or3A_344 : vector<256x128xi32> -> vector<256x128xf32>
    %min3A_346 = arith.minimumf %min3A_334, %bitcast_convert_type3A_345 : vector<256x128xf32>
    %max3A_347 = arith.maximumf %min3A_334, %bitcast_convert_type3A_345 : vector<256x128xf32>
    %min3A_348 = arith.minimumf %min3A_336, %max3A_347 : vector<256x128xf32>
    %max3A_349 = arith.maximumf %min3A_336, %max3A_347 : vector<256x128xf32>
    %min3A_350 = arith.minimumf %min3A_338, %max3A_349 : vector<256x128xf32>
    %max3A_351 = arith.maximumf %min3A_338, %max3A_349 : vector<256x128xf32>
    %min3A_352 = arith.minimumf %min3A_340, %max3A_351 : vector<256x128xf32>
    %slice3A_353 = vector.extract_strided_slice %and3A_36 {offsets = [0, 3328], sizes = [256, 128], strides = [1, 1]} : vector<256x4096xi32> to vector<256x128xi32>
    %or3A_354 = arith.constant 26 : i32
    %or3A_355 = vector.broadcast %or3A_354 : i32 to vector<256x128xi32>
    %or3A_356 = arith.ori %slice3A_353, %or3A_355 : vector<256x128xi32>
    %bitcast_convert_type3A_357 = tpu.bitcast %or3A_356 : vector<256x128xi32> -> vector<256x128xf32>
    %min3A_358 = arith.minimumf %min3A_346, %bitcast_convert_type3A_357 : vector<256x128xf32>
    %max3A_359 = arith.maximumf %min3A_346, %bitcast_convert_type3A_357 : vector<256x128xf32>
    %min3A_360 = arith.minimumf %min3A_348, %max3A_359 : vector<256x128xf32>
    %max3A_361 = arith.maximumf %min3A_348, %max3A_359 : vector<256x128xf32>
    %min3A_362 = arith.minimumf %min3A_350, %max3A_361 : vector<256x128xf32>
    %max3A_363 = arith.maximumf %min3A_350, %max3A_361 : vector<256x128xf32>
    %min3A_364 = arith.minimumf %min3A_352, %max3A_363 : vector<256x128xf32>
    %slice3A_365 = vector.extract_strided_slice %and3A_36 {offsets = [0, 3456], sizes = [256, 128], strides = [1, 1]} : vector<256x4096xi32> to vector<256x128xi32>
    %or3A_366 = arith.constant 27 : i32
    %or3A_367 = vector.broadcast %or3A_366 : i32 to vector<256x128xi32>
    %or3A_368 = arith.ori %slice3A_365, %or3A_367 : vector<256x128xi32>
    %bitcast_convert_type3A_369 = tpu.bitcast %or3A_368 : vector<256x128xi32> -> vector<256x128xf32>
    %min3A_370 = arith.minimumf %min3A_358, %bitcast_convert_type3A_369 : vector<256x128xf32>
    %max3A_371 = arith.maximumf %min3A_358, %bitcast_convert_type3A_369 : vector<256x128xf32>
    %min3A_372 = arith.minimumf %min3A_360, %max3A_371 : vector<256x128xf32>
    %max3A_373 = arith.maximumf %min3A_360, %max3A_371 : vector<256x128xf32>
    %min3A_374 = arith.minimumf %min3A_362, %max3A_373 : vector<256x128xf32>
    %max3A_375 = arith.maximumf %min3A_362, %max3A_373 : vector<256x128xf32>
    %min3A_376 = arith.minimumf %min3A_364, %max3A_375 : vector<256x128xf32>
    %slice3A_377 = vector.extract_strided_slice %and3A_36 {offsets = [0, 3584], sizes = [256, 128], strides = [1, 1]} : vector<256x4096xi32> to vector<256x128xi32>
    %or3A_378 = arith.constant 28 : i32
    %or3A_379 = vector.broadcast %or3A_378 : i32 to vector<256x128xi32>
    %or3A_380 = arith.ori %slice3A_377, %or3A_379 : vector<256x128xi32>
    %bitcast_convert_type3A_381 = tpu.bitcast %or3A_380 : vector<256x128xi32> -> vector<256x128xf32>
    %min3A_382 = arith.minimumf %min3A_370, %bitcast_convert_type3A_381 : vector<256x128xf32>
    %max3A_383 = arith.maximumf %min3A_370, %bitcast_convert_type3A_381 : vector<256x128xf32>
    %min3A_384 = arith.minimumf %min3A_372, %max3A_383 : vector<256x128xf32>
    %max3A_385 = arith.maximumf %min3A_372, %max3A_383 : vector<256x128xf32>
    %min3A_386 = arith.minimumf %min3A_374, %max3A_385 : vector<256x128xf32>
    %max3A_387 = arith.maximumf %min3A_374, %max3A_385 : vector<256x128xf32>
    %min3A_388 = arith.minimumf %min3A_376, %max3A_387 : vector<256x128xf32>
    %slice3A_389 = vector.extract_strided_slice %and3A_36 {offsets = [0, 3712], sizes = [256, 128], strides = [1, 1]} : vector<256x4096xi32> to vector<256x128xi32>
    %or3A_390 = arith.constant 29 : i32
    %or3A_391 = vector.broadcast %or3A_390 : i32 to vector<256x128xi32>
    %or3A_392 = arith.ori %slice3A_389, %or3A_391 : vector<256x128xi32>
    %bitcast_convert_type3A_393 = tpu.bitcast %or3A_392 : vector<256x128xi32> -> vector<256x128xf32>
    %min3A_394 = arith.minimumf %min3A_382, %bitcast_convert_type3A_393 : vector<256x128xf32>
    %max3A_395 = arith.maximumf %min3A_382, %bitcast_convert_type3A_393 : vector<256x128xf32>
    %min3A_396 = arith.minimumf %min3A_384, %max3A_395 : vector<256x128xf32>
    %max3A_397 = arith.maximumf %min3A_384, %max3A_395 : vector<256x128xf32>
    %min3A_398 = arith.minimumf %min3A_386, %max3A_397 : vector<256x128xf32>
    %max3A_399 = arith.maximumf %min3A_386, %max3A_397 : vector<256x128xf32>
    %min3A_400 = arith.minimumf %min3A_388, %max3A_399 : vector<256x128xf32>
    %slice3A_401 = vector.extract_strided_slice %and3A_36 {offsets = [0, 3840], sizes = [256, 128], strides = [1, 1]} : vector<256x4096xi32> to vector<256x128xi32>
    %or3A_402 = arith.constant 30 : i32
    %or3A_403 = vector.broadcast %or3A_402 : i32 to vector<256x128xi32>
    %or3A_404 = arith.ori %slice3A_401, %or3A_403 : vector<256x128xi32>
    %bitcast_convert_type3A_405 = tpu.bitcast %or3A_404 : vector<256x128xi32> -> vector<256x128xf32>
    %min3A_406 = arith.minimumf %min3A_394, %bitcast_convert_type3A_405 : vector<256x128xf32>
    %max3A_407 = arith.maximumf %min3A_394, %bitcast_convert_type3A_405 : vector<256x128xf32>
    %min3A_408 = arith.minimumf %min3A_396, %max3A_407 : vector<256x128xf32>
    %max3A_409 = arith.maximumf %min3A_396, %max3A_407 : vector<256x128xf32>
    %min3A_410 = arith.minimumf %min3A_398, %max3A_409 : vector<256x128xf32>
    %max3A_411 = arith.maximumf %min3A_398, %max3A_409 : vector<256x128xf32>
    %min3A_412 = arith.minimumf %min3A_400, %max3A_411 : vector<256x128xf32>
    %slice3A_413 = vector.extract_strided_slice %and3A_36 {offsets = [0, 3968], sizes = [256, 128], strides = [1, 1]} : vector<256x4096xi32> to vector<256x128xi32>
    %or3A_414 = arith.constant 31 : i32
    %or3A_415 = vector.broadcast %or3A_414 : i32 to vector<256x128xi32>
    %or3A_416 = arith.ori %slice3A_413, %or3A_415 : vector<256x128xi32>
    %bitcast_convert_type3A_417 = tpu.bitcast %or3A_416 : vector<256x128xi32> -> vector<256x128xf32>
    %min3A_418 = arith.minimumf %min3A_406, %bitcast_convert_type3A_417 : vector<256x128xf32>
    %max3A_419 = arith.maximumf %min3A_406, %bitcast_convert_type3A_417 : vector<256x128xf32>
    %min3A_420 = arith.minimumf %min3A_408, %max3A_419 : vector<256x128xf32>
    %max3A_421 = arith.maximumf %min3A_408, %max3A_419 : vector<256x128xf32>
    %min3A_422 = arith.minimumf %min3A_410, %max3A_421 : vector<256x128xf32>
    %max3A_423 = arith.maximumf %min3A_410, %max3A_421 : vector<256x128xf32>
    %min3A_424 = arith.minimumf %min3A_412, %max3A_423 : vector<256x128xf32>
    %iota3A = tpu.iota {dimensions = array<i32: 1>} : vector<256x128xi32>
    %convert_element_type3A = arith.sitofp %iota3A : vector<256x128xi32> to vector<256x128xf32>
    %concatenate3A_425 = tpu.concatenate %min3A_418, %min3A_420, %min3A_422, %min3A_424 in 1 : vector<256x128xf32>, vector<256x128xf32>, vector<256x128xf32>, vector<256x128xf32> -> vector<256x512xf32>
    %bitcast_convert_type3A_426 = tpu.bitcast %min3A_418 : vector<256x128xf32> -> vector<256x128xi32>
    %and3A_427 = arith.constant 31 : i32
    %and3A_428 = vector.broadcast %and3A_427 : i32 to vector<256x128xi32>
    %and3A_429 = arith.andi %bitcast_convert_type3A_426, %and3A_428 : vector<256x128xi32>
    %convert_element_type3A_430 = arith.uitofp %and3A_429 : vector<256x128xi32> to vector<256x128xf32>
    %mul3A_431 = arith.constant 1.280000e+02 : f32
    %mul3A_432 = vector.broadcast %mul3A_431 : f32 to vector<256x128xf32>
    %mul3A_433 = arith.mulf %convert_element_type3A_430, %mul3A_432 : vector<256x128xf32>
    %add3A_434 = arith.addf %mul3A_433, %convert_element_type3A : vector<256x128xf32>
    %bitcast_convert_type3A_435 = tpu.bitcast %min3A_420 : vector<256x128xf32> -> vector<256x128xi32>
    %and3A_436 = arith.constant 31 : i32
    %and3A_437 = vector.broadcast %and3A_436 : i32 to vector<256x128xi32>
    %and3A_438 = arith.andi %bitcast_convert_type3A_435, %and3A_437 : vector<256x128xi32>
    %convert_element_type3A_439 = arith.uitofp %and3A_438 : vector<256x128xi32> to vector<256x128xf32>
    %mul3A_440 = arith.constant 1.280000e+02 : f32
    %mul3A_441 = vector.broadcast %mul3A_440 : f32 to vector<256x128xf32>
    %mul3A_442 = arith.mulf %convert_element_type3A_439, %mul3A_441 : vector<256x128xf32>
    %add3A_443 = arith.addf %mul3A_442, %convert_element_type3A : vector<256x128xf32>
    %bitcast_convert_type3A_444 = tpu.bitcast %min3A_422 : vector<256x128xf32> -> vector<256x128xi32>
    %and3A_445 = arith.constant 31 : i32
    %and3A_446 = vector.broadcast %and3A_445 : i32 to vector<256x128xi32>
    %and3A_447 = arith.andi %bitcast_convert_type3A_444, %and3A_446 : vector<256x128xi32>
    %convert_element_type3A_448 = arith.uitofp %and3A_447 : vector<256x128xi32> to vector<256x128xf32>
    %mul3A_449 = arith.constant 1.280000e+02 : f32
    %mul3A_450 = vector.broadcast %mul3A_449 : f32 to vector<256x128xf32>
    %mul3A_451 = arith.mulf %convert_element_type3A_448, %mul3A_450 : vector<256x128xf32>
    %add3A_452 = arith.addf %mul3A_451, %convert_element_type3A : vector<256x128xf32>
    %bitcast_convert_type3A_453 = tpu.bitcast %min3A_424 : vector<256x128xf32> -> vector<256x128xi32>
    %and3A_454 = arith.constant 31 : i32
    %and3A_455 = vector.broadcast %and3A_454 : i32 to vector<256x128xi32>
    %and3A_456 = arith.andi %bitcast_convert_type3A_453, %and3A_455 : vector<256x128xi32>
    %convert_element_type3A_457 = arith.uitofp %and3A_456 : vector<256x128xi32> to vector<256x128xf32>
    %mul3A_458 = arith.constant 1.280000e+02 : f32
    %mul3A_459 = vector.broadcast %mul3A_458 : f32 to vector<256x128xf32>
    %mul3A_460 = arith.mulf %convert_element_type3A_457, %mul3A_459 : vector<256x128xf32>
    %add3A_461 = arith.addf %mul3A_460, %convert_element_type3A : vector<256x128xf32>
    %concatenate3A_462 = tpu.concatenate %add3A_434, %add3A_443, %add3A_452, %add3A_461 in 1 : vector<256x128xf32>, vector<256x128xf32>, vector<256x128xf32>, vector<256x128xf32> -> vector<256x512xf32>
    %reduce_min3A = arith.constant dense<0x7F800000> : vector<256xf32>
    %reduce_min3A_463 = vector.multi_reduction <minimumf>, %concatenate3A_425, %reduce_min3A [1] : vector<256x512xf32> to vector<256xf32>
    %broadcast_in_dim3A_464 = vector.shape_cast %reduce_min3A_463 : vector<256xf32> to vector<256x1xf32>
    %eq3A = vector.broadcast %broadcast_in_dim3A_464 : vector<256x1xf32> to vector<256x512xf32>
    %eq3A_465 = arith.cmpf oeq, %concatenate3A_425, %eq3A : vector<256x512xf32>
    %jit3A = arith.constant 4.096000e+03 : f32
    %broadcast_in_dim3A_466 = vector.broadcast %jit3A : f32 to vector<256x512xf32>
    %select_n3A = arith.select %eq3A_465, %concatenate3A_462, %broadcast_in_dim3A_466 : vector<256x512xi1>, vector<256x512xf32>
    %reduce_min3A_467 = arith.constant dense<0x7F800000> : vector<256xf32>
    %reduce_min3A_468 = vector.multi_reduction <minimumf>, %select_n3A, %reduce_min3A_467 [1] : vector<256x512xf32> to vector<256xf32>
    %broadcast_in_dim3A_469 = vector.shape_cast %reduce_min3A_468 : vector<256xf32> to vector<256x1xf32>
    %eq3A_470 = vector.broadcast %broadcast_in_dim3A_469 : vector<256x1xf32> to vector<256x512xf32>
    %eq3A_471 = arith.cmpf oeq, %concatenate3A_462, %eq3A_470 : vector<256x512xf32>
    %jit3A_472 = arith.constant 3.000000e+38 : f32
    %broadcast_in_dim3A_473 = vector.broadcast %jit3A_472 : f32 to vector<256x512xf32>
    %select_n3A_474 = arith.select %eq3A_471, %broadcast_in_dim3A_473, %concatenate3A_425 : vector<256x512xi1>, vector<256x512xf32>
    %reduce_min3A_475 = arith.constant dense<0x7F800000> : vector<256xf32>
    %reduce_min3A_476 = vector.multi_reduction <minimumf>, %select_n3A_474, %reduce_min3A_475 [1] : vector<256x512xf32> to vector<256xf32>
    %broadcast_in_dim3A_477 = vector.shape_cast %reduce_min3A_476 : vector<256xf32> to vector<256x1xf32>
    %eq3A_478 = vector.broadcast %broadcast_in_dim3A_477 : vector<256x1xf32> to vector<256x512xf32>
    %eq3A_479 = arith.cmpf oeq, %select_n3A_474, %eq3A_478 : vector<256x512xf32>
    %jit3A_480 = arith.constant 4.096000e+03 : f32
    %broadcast_in_dim3A_481 = vector.broadcast %jit3A_480 : f32 to vector<256x512xf32>
    %select_n3A_482 = arith.select %eq3A_479, %concatenate3A_462, %broadcast_in_dim3A_481 : vector<256x512xi1>, vector<256x512xf32>
    %reduce_min3A_483 = arith.constant dense<0x7F800000> : vector<256xf32>
    %reduce_min3A_484 = vector.multi_reduction <minimumf>, %select_n3A_482, %reduce_min3A_483 [1] : vector<256x512xf32> to vector<256xf32>
    %broadcast_in_dim3A_485 = vector.shape_cast %reduce_min3A_484 : vector<256xf32> to vector<256x1xf32>
    %eq3A_486 = vector.broadcast %broadcast_in_dim3A_485 : vector<256x1xf32> to vector<256x512xf32>
    %eq3A_487 = arith.cmpf oeq, %concatenate3A_462, %eq3A_486 : vector<256x512xf32>
    %jit3A_488 = arith.constant 3.000000e+38 : f32
    %broadcast_in_dim3A_489 = vector.broadcast %jit3A_488 : f32 to vector<256x512xf32>
    %select_n3A_490 = arith.select %eq3A_487, %broadcast_in_dim3A_489, %select_n3A_474 : vector<256x512xi1>, vector<256x512xf32>
    %reduce_min3A_491 = arith.constant dense<0x7F800000> : vector<256xf32>
    %reduce_min3A_492 = vector.multi_reduction <minimumf>, %select_n3A_490, %reduce_min3A_491 [1] : vector<256x512xf32> to vector<256xf32>
    %broadcast_in_dim3A_493 = vector.shape_cast %reduce_min3A_492 : vector<256xf32> to vector<256x1xf32>
    %eq3A_494 = vector.broadcast %broadcast_in_dim3A_493 : vector<256x1xf32> to vector<256x512xf32>
    %eq3A_495 = arith.cmpf oeq, %select_n3A_490, %eq3A_494 : vector<256x512xf32>
    %jit3A_496 = arith.constant 4.096000e+03 : f32
    %broadcast_in_dim3A_497 = vector.broadcast %jit3A_496 : f32 to vector<256x512xf32>
    %select_n3A_498 = arith.select %eq3A_495, %concatenate3A_462, %broadcast_in_dim3A_497 : vector<256x512xi1>, vector<256x512xf32>
    %reduce_min3A_499 = arith.constant dense<0x7F800000> : vector<256xf32>
    %reduce_min3A_500 = vector.multi_reduction <minimumf>, %select_n3A_498, %reduce_min3A_499 [1] : vector<256x512xf32> to vector<256xf32>
    %broadcast_in_dim3A_501 = vector.shape_cast %reduce_min3A_500 : vector<256xf32> to vector<256x1xf32>
    %eq3A_502 = vector.broadcast %broadcast_in_dim3A_501 : vector<256x1xf32> to vector<256x512xf32>
    %eq3A_503 = arith.cmpf oeq, %concatenate3A_462, %eq3A_502 : vector<256x512xf32>
    %jit3A_504 = arith.constant 3.000000e+38 : f32
    %broadcast_in_dim3A_505 = vector.broadcast %jit3A_504 : f32 to vector<256x512xf32>
    %select_n3A_506 = arith.select %eq3A_503, %broadcast_in_dim3A_505, %select_n3A_490 : vector<256x512xi1>, vector<256x512xf32>
    %reduce_min3A_507 = arith.constant dense<0x7F800000> : vector<256xf32>
    %reduce_min3A_508 = vector.multi_reduction <minimumf>, %select_n3A_506, %reduce_min3A_507 [1] : vector<256x512xf32> to vector<256xf32>
    %broadcast_in_dim3A_509 = vector.shape_cast %reduce_min3A_508 : vector<256xf32> to vector<256x1xf32>
    %eq3A_510 = vector.broadcast %broadcast_in_dim3A_509 : vector<256x1xf32> to vector<256x512xf32>
    %eq3A_511 = arith.cmpf oeq, %select_n3A_506, %eq3A_510 : vector<256x512xf32>
    %jit3A_512 = arith.constant 4.096000e+03 : f32
    %broadcast_in_dim3A_513 = vector.broadcast %jit3A_512 : f32 to vector<256x512xf32>
    %select_n3A_514 = arith.select %eq3A_511, %concatenate3A_462, %broadcast_in_dim3A_513 : vector<256x512xi1>, vector<256x512xf32>
    %reduce_min3A_515 = arith.constant dense<0x7F800000> : vector<256xf32>
    %reduce_min3A_516 = vector.multi_reduction <minimumf>, %select_n3A_514, %reduce_min3A_515 [1] : vector<256x512xf32> to vector<256xf32>
    %broadcast_in_dim3A_517 = vector.shape_cast %reduce_min3A_516 : vector<256xf32> to vector<256x1xf32>
    %eq3A_518 = vector.broadcast %broadcast_in_dim3A_517 : vector<256x1xf32> to vector<256x512xf32>
    %eq3A_519 = arith.cmpf oeq, %concatenate3A_462, %eq3A_518 : vector<256x512xf32>
    %jit3A_520 = arith.constant 3.000000e+38 : f32
    %broadcast_in_dim3A_521 = vector.broadcast %jit3A_520 : f32 to vector<256x512xf32>
    %select_n3A_522 = arith.select %eq3A_519, %broadcast_in_dim3A_521, %select_n3A_506 : vector<256x512xi1>, vector<256x512xf32>
    %reduce_min3A_523 = arith.constant dense<0x7F800000> : vector<256xf32>
    %reduce_min3A_524 = vector.multi_reduction <minimumf>, %select_n3A_522, %reduce_min3A_523 [1] : vector<256x512xf32> to vector<256xf32>
    %broadcast_in_dim3A_525 = vector.shape_cast %reduce_min3A_524 : vector<256xf32> to vector<256x1xf32>
    %eq3A_526 = vector.broadcast %broadcast_in_dim3A_525 : vector<256x1xf32> to vector<256x512xf32>
    %eq3A_527 = arith.cmpf oeq, %select_n3A_522, %eq3A_526 : vector<256x512xf32>
    %jit3A_528 = arith.constant 4.096000e+03 : f32
    %broadcast_in_dim3A_529 = vector.broadcast %jit3A_528 : f32 to vector<256x512xf32>
    %select_n3A_530 = arith.select %eq3A_527, %concatenate3A_462, %broadcast_in_dim3A_529 : vector<256x512xi1>, vector<256x512xf32>
    %reduce_min3A_531 = arith.constant dense<0x7F800000> : vector<256xf32>
    %reduce_min3A_532 = vector.multi_reduction <minimumf>, %select_n3A_530, %reduce_min3A_531 [1] : vector<256x512xf32> to vector<256xf32>
    %broadcast_in_dim3A_533 = vector.shape_cast %reduce_min3A_532 : vector<256xf32> to vector<256x1xf32>
    %eq3A_534 = vector.broadcast %broadcast_in_dim3A_533 : vector<256x1xf32> to vector<256x512xf32>
    %eq3A_535 = arith.cmpf oeq, %concatenate3A_462, %eq3A_534 : vector<256x512xf32>
    %jit3A_536 = arith.constant 3.000000e+38 : f32
    %broadcast_in_dim3A_537 = vector.broadcast %jit3A_536 : f32 to vector<256x512xf32>
    %select_n3A_538 = arith.select %eq3A_535, %broadcast_in_dim3A_537, %select_n3A_522 : vector<256x512xi1>, vector<256x512xf32>
    %reduce_min3A_539 = arith.constant dense<0x7F800000> : vector<256xf32>
    %reduce_min3A_540 = vector.multi_reduction <minimumf>, %select_n3A_538, %reduce_min3A_539 [1] : vector<256x512xf32> to vector<256xf32>
    %broadcast_in_dim3A_541 = vector.shape_cast %reduce_min3A_540 : vector<256xf32> to vector<256x1xf32>
    %eq3A_542 = vector.broadcast %broadcast_in_dim3A_541 : vector<256x1xf32> to vector<256x512xf32>
    %eq3A_543 = arith.cmpf oeq, %select_n3A_538, %eq3A_542 : vector<256x512xf32>
    %jit3A_544 = arith.constant 4.096000e+03 : f32
    %broadcast_in_dim3A_545 = vector.broadcast %jit3A_544 : f32 to vector<256x512xf32>
    %select_n3A_546 = arith.select %eq3A_543, %concatenate3A_462, %broadcast_in_dim3A_545 : vector<256x512xi1>, vector<256x512xf32>
    %reduce_min3A_547 = arith.constant dense<0x7F800000> : vector<256xf32>
    %reduce_min3A_548 = vector.multi_reduction <minimumf>, %select_n3A_546, %reduce_min3A_547 [1] : vector<256x512xf32> to vector<256xf32>
    %broadcast_in_dim3A_549 = vector.shape_cast %reduce_min3A_548 : vector<256xf32> to vector<256x1xf32>
    %eq3A_550 = vector.broadcast %broadcast_in_dim3A_549 : vector<256x1xf32> to vector<256x512xf32>
    %eq3A_551 = arith.cmpf oeq, %concatenate3A_462, %eq3A_550 : vector<256x512xf32>
    %jit3A_552 = arith.constant 3.000000e+38 : f32
    %broadcast_in_dim3A_553 = vector.broadcast %jit3A_552 : f32 to vector<256x512xf32>
    %select_n3A_554 = arith.select %eq3A_551, %broadcast_in_dim3A_553, %select_n3A_538 : vector<256x512xi1>, vector<256x512xf32>
    %reduce_min3A_555 = arith.constant dense<0x7F800000> : vector<256xf32>
    %reduce_min3A_556 = vector.multi_reduction <minimumf>, %select_n3A_554, %reduce_min3A_555 [1] : vector<256x512xf32> to vector<256xf32>
    %broadcast_in_dim3A_557 = vector.shape_cast %reduce_min3A_556 : vector<256xf32> to vector<256x1xf32>
    %eq3A_558 = vector.broadcast %broadcast_in_dim3A_557 : vector<256x1xf32> to vector<256x512xf32>
    %eq3A_559 = arith.cmpf oeq, %select_n3A_554, %eq3A_558 : vector<256x512xf32>
    %jit3A_560 = arith.constant 4.096000e+03 : f32
    %broadcast_in_dim3A_561 = vector.broadcast %jit3A_560 : f32 to vector<256x512xf32>
    %select_n3A_562 = arith.select %eq3A_559, %concatenate3A_462, %broadcast_in_dim3A_561 : vector<256x512xi1>, vector<256x512xf32>
    %reduce_min3A_563 = arith.constant dense<0x7F800000> : vector<256xf32>
    %reduce_min3A_564 = vector.multi_reduction <minimumf>, %select_n3A_562, %reduce_min3A_563 [1] : vector<256x512xf32> to vector<256xf32>
    %broadcast_in_dim3A_565 = vector.shape_cast %reduce_min3A_564 : vector<256xf32> to vector<256x1xf32>
    %eq3A_566 = vector.broadcast %broadcast_in_dim3A_565 : vector<256x1xf32> to vector<256x512xf32>
    %eq3A_567 = arith.cmpf oeq, %concatenate3A_462, %eq3A_566 : vector<256x512xf32>
    %jit3A_568 = arith.constant 3.000000e+38 : f32
    %broadcast_in_dim3A_569 = vector.broadcast %jit3A_568 : f32 to vector<256x512xf32>
    %select_n3A_570 = arith.select %eq3A_567, %broadcast_in_dim3A_569, %select_n3A_554 : vector<256x512xi1>, vector<256x512xf32>
    %reduce_min3A_571 = arith.constant dense<0x7F800000> : vector<256xf32>
    %reduce_min3A_572 = vector.multi_reduction <minimumf>, %select_n3A_570, %reduce_min3A_571 [1] : vector<256x512xf32> to vector<256xf32>
    %broadcast_in_dim3A_573 = vector.shape_cast %reduce_min3A_572 : vector<256xf32> to vector<256x1xf32>
    %eq3A_574 = vector.broadcast %broadcast_in_dim3A_573 : vector<256x1xf32> to vector<256x512xf32>
    %eq3A_575 = arith.cmpf oeq, %select_n3A_570, %eq3A_574 : vector<256x512xf32>
    %jit3A_576 = arith.constant 4.096000e+03 : f32
    %broadcast_in_dim3A_577 = vector.broadcast %jit3A_576 : f32 to vector<256x512xf32>
    %select_n3A_578 = arith.select %eq3A_575, %concatenate3A_462, %broadcast_in_dim3A_577 : vector<256x512xi1>, vector<256x512xf32>
    %reduce_min3A_579 = arith.constant dense<0x7F800000> : vector<256xf32>
    %reduce_min3A_580 = vector.multi_reduction <minimumf>, %select_n3A_578, %reduce_min3A_579 [1] : vector<256x512xf32> to vector<256xf32>
    %broadcast_in_dim3A_581 = vector.shape_cast %reduce_min3A_580 : vector<256xf32> to vector<256x1xf32>
    %mul3A_582 = arith.constant 4096 : i32
    %mul3A_583 = arith.muli %arg0, %mul3A_582 : i32
    %concatenate3A_584 = tpu.concatenate %broadcast_in_dim3A_469, %broadcast_in_dim3A_485, %broadcast_in_dim3A_501, %broadcast_in_dim3A_517, %broadcast_in_dim3A_533, %broadcast_in_dim3A_549, %broadcast_in_dim3A_565, %broadcast_in_dim3A_581 in 1 : vector<256x1xf32>, vector<256x1xf32>, vector<256x1xf32>, vector<256x1xf32>, vector<256x1xf32>, vector<256x1xf32>, vector<256x1xf32>, vector<256x1xf32> -> vector<256x8xf32>
    %convert_element_type3A_585 = arith.fptosi %concatenate3A_584 : vector<256x8xf32> to vector<256x8xi32>
    %add3A_586 = vector.broadcast %mul3A_583 : i32 to vector<256x8xi32>
    %add3A_587 = arith.addi %convert_element_type3A_585, %add3A_586 : vector<256x8xi32>
    %swap3A_588 = arith.constant 0 : index
    %swap3A_589 = arith.constant 0 : index
    %swap3A_590 = vector.load %arg7[%swap3A_588, %swap3A_589] : memref<256x8xi32, #tpu.memory_space<vmem>>, vector<256x8xi32>
    tpu.vector_store %arg7[%swap3A_588, %swap3A_589], %add3A_587 {strides = array<i32>} : memref<256x8xi32, #tpu.memory_space<vmem>>, vector<256x8xi32>,
    return
  }
  func.func @transform_0(%arg0: i32, %arg1: i32) -> (i32, i32, i32) {
    %c0_i32 = arith.constant 0 : i32
    %c0_i32_0 = arith.constant 0 : i32
    return %arg0, %arg1, %c0_i32 : i32, i32, i32
  }
  func.func @transform_1(%arg0: i32, %arg1: i32) -> (i32, i32, i32) {
    %c0_i32 = arith.constant 0 : i32
    %c0_i32_0 = arith.constant 0 : i32
    %c0_i32_1 = arith.constant 0 : i32
    return %arg0, %c0_i32, %c0_i32_0 : i32, i32, i32
  }
  func.func @transform_2(%arg0: i32, %arg1: i32) -> (i32, i32) {
    %c0_i32 = arith.constant 0 : i32
    %c0_i32_0 = arith.constant 0 : i32
    %c0_i32_1 = arith.constant 0 : i32
    return %c0_i32, %c0_i32_0 : i32, i32
  }
  func.func @transform_3(%arg0: i32, %arg1: i32) -> (i32, i32) {
    %c0_i32 = arith.constant 0 : i32
    %c0_i32_0 = arith.constant 0 : i32
    %c0_i32_1 = arith.constant 0 : i32
    return %c0_i32, %c0_i32_0 : i32, i32
  }
  func.func @transform_4(%arg0: i32, %arg1: i32) -> (i32, i32) {
    %mul3A = arith.constant 16 : i32
    %mul3A_0 = arith.muli %arg0, %mul3A : i32
    %add3A = arith.addi %mul3A_0, %arg1 : i32
    %c0_i32 = arith.constant 0 : i32
    %c0_i32_1 = arith.constant 0 : i32
    return %add3A, %c0_i32 : i32, i32
  }
  func.func @transform_5(%arg0: i32, %arg1: i32) -> (i32, i32) {
    %mul3A = arith.constant 16 : i32
    %mul3A_0 = arith.muli %arg0, %mul3A : i32
    %add3A = arith.addi %mul3A_0, %arg1 : i32
    %c0_i32 = arith.constant 0 : i32
    %c0_i32_1 = arith.constant 0 : i32
    return %add3A, %c0_i32 : i32, i32
  }
}

</mosaic_0001>

<sc_bundles>
// kernel: kernel.4.cloned.1.call-start
scs
__scs_entry_jumppad:
0x0: {  	(pc) =	sbr.rel $0x88, $3  }
0x1: {  	(tag) =	ssettag $0x0;
	lr =	simm.s32 $0x1  }
0x2: {  	[smem:$0x3F9E] =	sst lr;
	_ =	strace $0xD0000000  }
0x3: {  	_ = 	snop  }
0x4: {  	_ = 	snop  }
0x5: {  	_ = 	snop  }
0x6: {  	_ = 	snop  }
0x7: {  	_ = 	snop  }
__scs_overlays_trampoline_lowered:
0x8: {  	[smem:$0x3FAD] =	sst s0  }
0x9: {  	[smem:$0x3FAE] =	sst s1  }
0xa: {  	[smem:$0x3FAF] =	sst s2  }
0xb: {  	[smem:$0x3FB0] =	sst s3  }
0xc: {  	[smem:$0x3FB1] =	sst s4  }
0xd: {  	[smem:$0x3FB2] =	sst s5  }
0xe: {  	[smem:$0x3FB3] =	sst s6  }
0xf: {  	[smem:$0x3FB4] =	sst s7  }
0x10: {  	[smem:$0x3FB5] =	sst s8  }
0x11: {  	[smem:$0x3FB6] =	sst s9;
	s0 =	simm.s32 @!p0 $0x0  }
0x12: {  	s1 =	sld [smem:$0x3F9C];
	s0 =	simm.s32 @p0 $0x1  }
0x13: {  	[smem:$0x3FB7] =	sst s0;
	s0 =	simm.s32 @!p1 $0x0  }
0x14: {  	s2 =	sld [smem:$0x3F9B];
	s0 =	simm.s32 @p1 $0x1  }
0x15: {  	[smem:$0x3FB8] =	sst s0;
	s0 =	simm.s32 @!p2 $0x0  }
0x16: {  	s3 =	sld [smem:$0x3FDB];
	s0 =	simm.s32 @p2 $0x1  }
0x17: {  	s4 =	simm.s32 $0x1BF5;
	[smem:$0x3FBA] =	sst s0  }
0x18: {  	s0 =	sld [smem:$0x3F9D];
	_ =	swait.ge [sflag:s4], $0x0  }
0x19: {  	s7 =	sld [smem:$0x3F9E]  }
0x1a: {  	s8 =	sadd.s32 $0xFFFFE003, lr  }
0x1b: {  	s9 =	sadd.s32 $0xFFFFFEF7, lr;
	s5 =	simm.s32 $0xFFFFFFFF;
	p2 =	slt.u32 s8, $0xFFFFF086  }
0x1c: {  	p1 =	slt.u32 s9, $0xF7A;
	s5 =	simm.s32 @!p2 $0x0  }
0x1d: {  	s5 =	simm.s32 @p1 $0x1;
	p0 =	seq.s32 s7, s2  }
0x1e: {  	s7 =	smul.u32 @!p0 $0xF7A, s2;
	p2 =	seq.s32 @!p0 s5, $0x0  }
0x1f: {  	s9 =	smul.u32 $0xF7A, s1;
	s8 =	simm.s32 @!p0 $0x1BF5;
	p2 =	por !p2, p0  }
0x20: {  	[sflag:s8] =	ssyncset.s32 @!p0 $0xFFFFF086;
	s6 =	sadd.s32 @!p0 s3, s7;
	s7 =	simm.s32 @!p0 $0x108  }
0x21: {  	s3 =	sadd.s32 s3, s9;
	s6 =	sadd.s32 @!p0 $0x88, s6;
	s7 =	simm.s32 @p2 $0x1082  }
0x22: {  	[simem:s7], [sflag:s8] =	dma.local @!p0 [hbm:s6], $0xF7A  }
0x23: {  	s9 =	sor.u32 $0xD0000000, s2;
	s6 =	simm.s32 $0x108;
	_ =	swait.ge @!p0 [sflag:s8], $0x0  }
0x24: {  	s3 =	sadd.s32 $0x88, s3;
	s6 =	simm.s32 @!p1 $0x1082;
	[sflag:s4] =	ssyncset.s32 $0xFFFFF086  }
0x25: {  	[simem:s6], [sflag:s4] =	dma.local [hbm:s3], $0xF7A  }
0x26: {  	[smem:$0x3F9E] =	sst s1;
	(tag) =	ssettag s2;
	_ =	strace s9  }
0x27: {  	s1 =	sld [smem:$0x3FAE]  }
0x28: {  	s2 =	sld [smem:$0x3FAF]  }
0x29: {  	s4 =	sld [smem:$0x3FB1]  }
0x2a: {  	p0 =	seq.s32 s5, $0x0;
	s5 =	sld [smem:$0x3FB2]  }
0x2b: {  	s6 =	sld [smem:$0x3FB3]  }
0x2c: {  	s7 =	sld [smem:$0x3FB4]  }
0x2d: {  	s3 =	simm.s32 $0x108;
	s8 =	sld [smem:$0x3FB5]  }
0x2e: {  	s3 =	simm.s32 @!p0 $0x1082;
	s9 =	sld [smem:$0x3FB6]  }
0x2f: {  	lr =	sadd.s32 s0, s3;
	s0 =	sld [smem:$0x3FAD]  }
0x30: {  	s3 =	sld [smem:$0x3FB0]  }
0x31: {  	[smem:$0x3FB9] =	sst s10  }
0x32: {  	s10 =	sld [smem:$0x3FB7];
	_ =	sdelay $0x3  }
0x33: {  	p0 =	seq.s32 s10, $0x1;
	s10 =	sld [smem:$0x3FB9];
	_ =	sdelay $0x3  }
0x34: {  	[smem:$0x3FB9] =	sst s10  }
0x35: {  	s10 =	sld [smem:$0x3FB8];
	_ =	sdelay $0x3  }
0x36: {  	p1 =	seq.s32 s10, $0x1;
	s10 =	sld [smem:$0x3FB9];
	_ =	sdelay $0x3  }
0x37: {  	[smem:$0x3FB9] =	sst s10  }
0x38: {  	s10 =	sld [smem:$0x3FBA]  }
0x39: {  	_ = 	snop;
	(pc) =	sbr.ind lr, $3  }
0x3a: {  	_ = 	snop  }
0x3b: {  	_ = 	snop  }
0x3c: {  	p2 =	seq.s32 s10, $0x1;
	s10 =	sld [smem:$0x3FB9]  }
0x3d: {  	_ =	shalt  }
0x3e: {  	_ =	shalt  }
0x3f: {  	_ =	shalt  }
0x40: {  	_ =	shalt  }
0x41: {  	_ =	shalt  }
0x42: {  	_ =	shalt  }
0x43: {  	_ =	shalt  }
0x44: {  	_ =	shalt  }
0x45: {  	_ =	shalt  }
0x46: {  	_ =	shalt  }
0x47: {  	_ =	shalt  }
0x48: {  	_ =	shalt  }
0x49: {  	_ =	shalt  }
0x4a: {  	_ =	shalt  }
0x4b: {  	_ =	shalt  }
0x4c: {  	_ =	shalt  }
0x4d: {  	_ =	shalt  }
0x4e: {  	_ =	shalt  }
0x4f: {  	_ =	shalt  }
0x50: {  	_ =	shalt  }
0x51: {  	_ =	shalt  }
0x52: {  	_ =	shalt  }
0x53: {  	_ =	shalt  }
0x54: {  	_ =	shalt  }
0x55: {  	_ =	shalt  }
0x56: {  	_ =	shalt  }
0x57: {  	_ =	shalt  }
0x58: {  	_ =	shalt  }
0x59: {  	_ =	shalt  }
0x5a: {  	_ =	shalt  }
0x5b: {  	_ =	shalt  }
0x5c: {  	_ =	shalt  }
0x5d: {  	_ =	shalt  }
0x5e: {  	_ =	shalt  }
0x5f: {  	_ =	shalt  }
0x60: {  	_ =	shalt  }
0x61: {  	_ =	shalt  }
0x62: {  	_ =	shalt  }
0x63: {  	_ =	shalt  }
0x64: {  	_ =	shalt  }
0x65: {  	_ =	shalt  }
0x66: {  	_ =	shalt  }
0x67: {  	_ =	shalt  }
0x68: {  	_ =	shalt  }
0x69: {  	_ =	shalt  }
0x6a: {  	_ =	shalt  }
0x6b: {  	_ =	shalt  }
0x6c: {  	_ =	shalt  }
0x6d: {  	_ =	shalt  }
0x6e: {  	_ =	shalt  }
0x6f: {  	_ =	shalt  }
0x70: {  	_ =	shalt  }
0x71: {  	_ =	shalt  }
0x72: {  	_ =	shalt  }
0x73: {  	_ =	shalt  }
0x74: {  	_ =	shalt  }
0x75: {  	_ =	shalt  }
0x76: {  	_ =	shalt  }
0x77: {  	_ =	shalt  }
0x78: {  	_ =	shalt  }
0x79: {  	_ =	shalt  }
0x7a: {  	_ =	shalt  }
0x7b: {  	_ =	shalt  }
0x7c: {  	_ =	shalt  }
0x7d: {  	_ =	shalt  }
0x7e: {  	_ =	shalt  }
0x7f: {  	_ =	shalt  }
0x80: {  	_ =	shalt  }
0x81: {  	_ =	shalt  }
0x82: {  	_ =	shalt  }
0x83: {  	_ =	shalt  }
0x84: {  	_ =	shalt  }
0x85: {  	_ =	shalt  }
0x86: {  	_ =	shalt  }
0x87: {  	_ =	shalt  }
.Lfunc_end0:
.L_simem_size_0:
called_computation_lowered:
.L_overlay_start_0:
0x88: {  	s2 =	sld [smem:$0x3FD9]  }
0x89: {  	s3 =	sld [smem:$0x3FFE];
	_ =	sdelay $0x1  }
0x8a: {  	s1 =	srdreg.scid  }
0x8b: {  	s0 =	sand.u32 $0x1, s1  }
0x8c: {  	s17 =	sshll.u32 s0, $0xA;
	s2 =	sadd.s32 s3, s2  }
0x8d: {  	s2 =	sadd.s32 s2, s17  }
0x8e: {  	[smem:$0x3FC5] =	sst s2  }
0x8f: {  	_ = 	snop  }
0x90: {  	s2 =	sld [smem:$0x3FD0];
	(tm) =	ssettm $0x1  }
0x91: {  	s18 =	sld [smem:$0x3FFB];
	_ =	sdelay $0x3  }
0x92: {  	_ =	strace s18  }
0x93: {  	s3 =	sld [smem:$0x3FFC];
	_ =	sdelay $0x3  }
0x94: {  	_ =	strace s3  }
0x95: {  	s3 =	sld [smem:$0x3FFD];
	_ =	sdelay $0x3  }
0x96: {  	_ =	strace s3  }
0x97: {  	_ =	strace $0x8FFFFFFF  }
0x98: {  	s19 =	sld [smem:$0x3FDB];
	_ =	sdelay $0x1  }
0x99: {  	s4 =	simm.s32 $_scs_section_size  }
0x9a: {  	s5 =	simm.s32 $_size__tile_overlayer_lowered;
	s6 =	simm.s32 $_tile_overlayer_lowered  }
0x9b: {  	s22 =	simm.s32 $0x1BFF;
	s21 =	sshll.u32 s6, $0x1;
	s3 =	sadd.s32 s4, s19  }
0x9c: {  	s7 =	simm.s32 $0x0;
	s20 =	sshll.u32 s5, $0x1;
	s5 =	sadd.s32 s21, s3  }
0x9d: {  	[timem:s7], [sflag:s22] =	dma.local [hbm:s5], s20  }
0x9e: {  	_ =	swait.ge [sflag:s22], s20  }
0x9f: {  	s4 =	ssub.s32 $0x0, s20;
	[sflag:s22] =	ssyncset.done $0x0  }
0xa0: {  	[sflag:s22] =	ssyncadd.s32 s4;
	_ =	sdelay $0x1  }
0xa1: {  	s23 =	simm.s32 $0x1B8B  }
0xa2: {  	_ =	swait.ge [sflag:s23], $0x1  }
0xa3: {  	[sflag:s23] =	ssyncset.done $0x0  }
0xa4: {  	s25 =	simm.s32 $0x1B8E;
	s24 =	sld [smem:$0x3FFE];
	[sflag:s23] =	ssyncadd.s32 $0xFFFFFFFF  }
0xa5: {  	s26 =	simm.s32 $execute0_lowered;
	[smem:$0x3FD2] =	sst s25  }
0xa6: {  	s5 =	sshll.u32 s26, $0x1;
	_ =	strace $0x80000046;
	[dreg:$0x1] =	wrdreg $0xFFFFFFFF  }
0xa7: {  	s28 =	simm.s32 $_size_execute0_lowered;
	s3 =	sadd.s32 s3, s5;
	[dreg:$0x0] =	wrdreg $0x0  }
0xa8: {  	s5 =	sshll.u32 s28, $0x1;
	[dreg:$0x2] =	wrdreg s3  }
0xa9: {  	[dreg:$0x3] =	wrdreg s5  }
0xaa: {  	[dreg:$0x4] =	wrdreg $0xC0  }
0xab: {  	_ =	task [dreg:s7], $0x5FFFF  }
0xac: {  	[dreg:$0x1] =	wrdreg $0xFFFFFFFF  }
0xad: {  	[dreg:$0x0] =	wrdreg $0x60  }
0xae: {  	[dreg:$0x2] =	wrdreg s24  }
0xaf: {  	[dreg:$0x3] =	wrdreg s2  }
0xb0: {  	[dreg:$0x4] =	wrdreg $0x9  }
0xb1: {  	_ =	task.clear_ibuf [dreg:s7], $0x5FFFF;
	_ =	strace $0x90000046  }
0xb2: {  	s29 =	simm.s32 $0x9;
	_ =	strace $0x80000048  }
0xb3: {  	_ =	swait.ge [sflag:s29], $0x1  }
0xb4: {  	[sflag:s29] =	ssyncadd.s32 $0xFFFFFFFF  }
0xb5: {  	_ =	strace $0x90000048  }
0xb6: {  	_ =	sfence  }
0xb7: {  	s30 =	sld [smem:$0x0];
	_ =	sdelay $0x2  }
0xb8: {  	s31 =	sshll.u32 s1, $0xD;
	s1 =	sshrl.u32 s1, $0x2  }
0xb9: {  	s3 =	sand.u32 $0x4000, s31;
	s1 =	sadd.s32 s1, s30  }
0xba: {  	s0 =	sor.u32 s3, s0;
	s1 =	sshll.u32 s1, $0x11  }
0xbb: {  	s0 =	sor.u32 s1, s0  }
0xbc: {  	s0 =	sadd.s32 $0x8F2B, s0  }
0xbd: {  	[sflag:s0] =	ssyncadd.remote.s32 $0x1  }
0xbe: {  	_ =	sfence.sel $0xFFFF  }
0xbf: {  	[dreg:$0x0] =	wrdreg $0xFFFFFFFF;
	(pc) =	sbr.abs _section_cstart, $3  }
0xc0: {  	[dreg:$0x1] =	wrdreg $0xFFFFFFFF  }
0xc1: {  	_ =	task.clear_ibuf [dreg:s7], $0x2FFFF;
	_ =	strace $0x9FFFFFFF  }
0xc2: {  	(tm) =	ssettm $0x7FFFFFFF  }
0xc3: {  	_ =	shalt  }
tec
execute0_lowered:
.L_overlay_start_1:
0x0: {  	(tag) =	ssettag $0x1  }
0x1: {  	s0 =	rddreg [dreg:$0x0]  }
0x2: {  	s1 =	rddreg [dreg:$0x1];
	s2 =	simm.s32 $0x0;
	s3 =	srdreg.scid  }
0x3: {  	s4 =	stileid.u32;
	s8 =	simm.s32 $0x2;
	s10 =	simm.s32 $0x80  }
0x4: {  	s11 =	simm.s32 $0x1000;
	s13 =	simm.s32 $0xC00;
	s14 =	simm.s32 $0xD000  }
0x5: {  	s15 =	simm.s32 $0xC80;
	s16 =	simm.s32 $0xD800;
	s17 =	simm.s32 $0xD00  }
0x6: {  	s18 =	simm.s32 $0xE000;
	s19 =	simm.s32 $0xD80;
	s20 =	simm.s32 $0xE800  }
0x7: {  	s21 =	simm.s32 $0xE00;
	s22 =	simm.s32 $0xF000;
	s23 =	simm.s32 $0xE80  }
0x8: {  	s28 =	simm.s32 $0xF80;
	s29 =	simm.s32 $0x10800;
	s30 =	simm.s32 $0x1  }
0x9: {  	[smem:$0x7FF] =	sst s2;
	s3 =	sand.u32 $0x1, s3;
	s4 =	sshll.u32 s4, $0x1  }
0xa: {  	s31 =	simm.s32 $0x0;
	_ =	strace $0x80000047;
	s6 =	sor.u32 s3, s4  }
0xb: {  	s24 =	ssub.s32 $0x2, s3;
	s3 =	sadd.s32 $0xA00, s0;
	s5 =	sshll.u32 s6, $0x9  }
0xc: {  	s7 =	sshrl.u32 s24, $0x1;
	s25 =	sshll.u32 s6, $0xA;
	s26 =	sshll.u32 s6, $0xD  }
0xd: {  	s0 =	sadd.s32 s5, s0;
	s7 =	ssub.s32 s24, s7;
	s5 =	sadd.s32 s3, s25  }
0xe: {  	s6 =	sadd.s32 s1, s26;
	s24 =	simm.s32 $0xF800;
	s25 =	simm.s32 $0xF00  }
0xf: {  	vm0 =	vmmov $0xff;
	s26 =	simm.s32 $0x10000;
	s4 =	sadd.s32 $0x8A00, s0;
	s7 =	smax.u32 s7, $0x1  }
.LBB2_1:
0x10: {  	[tilespmem:s2], [sflag:$0x2] =	stream.linear.gather [hbm4b:s4+s2], $0x1000, $0x38;
	[tilespmem:$0x13000] =	vst v63  }
0x11: {  	_ =	swait.ge [sflag:s8], $0x1000  }
0x12: {  	[sflag:s8] =	ssyncset.done $0x0  }
0x13: {  	s0 =	simm.s32 $0x11000;
	[sflag:s8] =	ssyncadd.s32 $0xFFFFF000  }
0x14: {  	[tilespmem:s0], [sflag:$0x2] =	stream.linear.gather [hbm4b:s5+s2], $0x2000, $0x38;
	[tilespmem:$0x13000] =	vst v63  }
0x15: {  	_ =	swait.ge [sflag:s8], $0x2000  }
0x16: {  	[sflag:s8] =	ssyncset.done $0x0  }
0x17: {  	[sflag:s8] =	ssyncadd.s32 $0xFFFFE000  }
0x18: {  	[tilespmem:s11], [sflag:$0x1] =	stream.indirect.gather [hbm4b:s3+s10], $0x10, s2, s10, $0xb8;
	[tilespmem:$0x13000] =	vst v63  }
0x19: {  	s9 =	simm.s32 $0x1800  }
0x1a: {  	[tilespmem:s9], [sflag:$0x1] =	stream.indirect.gather [hbm4b:s3+s10], $0x10, s10, s10, $0xb8;
	[tilespmem:$0x13000] =	vst v63  }
0x1b: {  	s12 =	simm.s32 $0x100;
	s1 =	simm.s32 $0x2000  }
0x1c: {  	[tilespmem:s1], [sflag:$0x1] =	stream.indirect.gather [hbm4b:s3+s10], $0x10, s12, s10, $0xb8;
	[tilespmem:$0x13000] =	vst v63  }
0x1d: {  	s9 =	simm.s32 $0x180;
	s12 =	simm.s32 $0x2800  }
0x1e: {  	[tilespmem:s12], [sflag:$0x1] =	stream.indirect.gather [hbm4b:s3+s10], $0x10, s9, s10, $0xb8;
	[tilespmem:$0x13000] =	vst v63  }
0x1f: {  	s9 =	simm.s32 $0x200;
	s12 =	simm.s32 $0x3000  }
0x20: {  	[tilespmem:s12], [sflag:$0x1] =	stream.indirect.gather [hbm4b:s3+s10], $0x10, s9, s10, $0xb8;
	[tilespmem:$0x13000] =	vst v63  }
0x21: {  	s9 =	simm.s32 $0x280;
	s12 =	simm.s32 $0x3800  }
0x22: {  	[tilespmem:s12], [sflag:$0x1] =	stream.indirect.gather [hbm4b:s3+s10], $0x10, s9, s10, $0xb8;
	[tilespmem:$0x13000] =	vst v63  }
0x23: {  	s9 =	simm.s32 $0x300;
	s12 =	simm.s32 $0x4000  }
0x24: {  	[tilespmem:s12], [sflag:$0x1] =	stream.indirect.gather [hbm4b:s3+s10], $0x10, s9, s10, $0xb8;
	[tilespmem:$0x13000] =	vst v63  }
0x25: {  	s9 =	simm.s32 $0x380;
	s12 =	simm.s32 $0x4800  }
0x26: {  	[tilespmem:s12], [sflag:$0x1] =	stream.indirect.gather [hbm4b:s3+s10], $0x10, s9, s10, $0xb8;
	[tilespmem:$0x13000] =	vst v63  }
0x27: {  	s9 =	simm.s32 $0x400;
	s12 =	simm.s32 $0x5000  }
0x28: {  	[tilespmem:s12], [sflag:$0x1] =	stream.indirect.gather [hbm4b:s3+s10], $0x10, s9, s10, $0xb8;
	[tilespmem:$0x13000] =	vst v63  }
0x29: {  	s9 =	simm.s32 $0x480;
	s12 =	simm.s32 $0x5800  }
0x2a: {  	[tilespmem:s12], [sflag:$0x1] =	stream.indirect.gather [hbm4b:s3+s10], $0x10, s9, s10, $0xb8;
	[tilespmem:$0x13000] =	vst v63  }
0x2b: {  	s9 =	simm.s32 $0x500;
	s12 =	simm.s32 $0x6000  }
0x2c: {  	[tilespmem:s12], [sflag:$0x1] =	stream.indirect.gather [hbm4b:s3+s10], $0x10, s9, s10, $0xb8;
	[tilespmem:$0x13000] =	vst v63  }
0x2d: {  	s9 =	simm.s32 $0x580;
	s12 =	simm.s32 $0x6800  }
0x2e: {  	[tilespmem:s12], [sflag:$0x1] =	stream.indirect.gather [hbm4b:s3+s10], $0x10, s9, s10, $0xb8;
	[tilespmem:$0x13000] =	vst v63  }
0x2f: {  	s9 =	simm.s32 $0x600;
	s12 =	simm.s32 $0x7000  }
0x30: {  	[tilespmem:s12], [sflag:$0x1] =	stream.indirect.gather [hbm4b:s3+s10], $0x10, s9, s10, $0xb8;
	[tilespmem:$0x13000] =	vst v63  }
0x31: {  	s9 =	simm.s32 $0x680;
	s12 =	simm.s32 $0x7800  }
0x32: {  	[tilespmem:s12], [sflag:$0x1] =	stream.indirect.gather [hbm4b:s3+s10], $0x10, s9, s10, $0xb8;
	[tilespmem:$0x13000] =	vst v63  }
0x33: {  	s9 =	simm.s32 $0x700;
	s12 =	simm.s32 $0x8000  }
0x34: {  	[tilespmem:s12], [sflag:$0x1] =	stream.indirect.gather [hbm4b:s3+s10], $0x10, s9, s10, $0xb8;
	[tilespmem:$0x13000] =	vst v63  }
0x35: {  	s9 =	simm.s32 $0x780;
	s12 =	simm.s32 $0x8800  }
0x36: {  	[tilespmem:s12], [sflag:$0x1] =	stream.indirect.gather [hbm4b:s3+s10], $0x10, s9, s10, $0xb8;
	[tilespmem:$0x13000] =	vst v63  }
0x37: {  	s9 =	simm.s32 $0x800;
	s12 =	simm.s32 $0x9000  }
0x38: {  	[tilespmem:s12], [sflag:$0x1] =	stream.indirect.gather [hbm4b:s3+s10], $0x10, s9, s10, $0xb8;
	[tilespmem:$0x13000] =	vst v63  }
0x39: {  	s9 =	simm.s32 $0x880;
	s12 =	simm.s32 $0x9800  }
0x3a: {  	[tilespmem:s12], [sflag:$0x1] =	stream.indirect.gather [hbm4b:s3+s10], $0x10, s9, s10, $0xb8;
	[tilespmem:$0x13000] =	vst v63  }
0x3b: {  	s9 =	simm.s32 $0x900;
	s12 =	simm.s32 $0xA000  }
0x3c: {  	[tilespmem:s12], [sflag:$0x1] =	stream.indirect.gather [hbm4b:s3+s10], $0x10, s9, s10, $0xb8;
	[tilespmem:$0x13000] =	vst v63  }
0x3d: {  	s9 =	simm.s32 $0x980;
	s12 =	simm.s32 $0xA800  }
0x3e: {  	[tilespmem:s12], [sflag:$0x1] =	stream.indirect.gather [hbm4b:s3+s10], $0x10, s9, s10, $0xb8;
	[tilespmem:$0x13000] =	vst v63  }
0x3f: {  	s9 =	simm.s32 $0xA00;
	s12 =	simm.s32 $0xB000  }
0x40: {  	[tilespmem:s12], [sflag:$0x1] =	stream.indirect.gather [hbm4b:s3+s10], $0x10, s9, s10, $0xb8;
	[tilespmem:$0x13000] =	vst v63  }
0x41: {  	s9 =	simm.s32 $0xA80;
	s12 =	simm.s32 $0xB800  }
0x42: {  	[tilespmem:s12], [sflag:$0x1] =	stream.indirect.gather [hbm4b:s3+s10], $0x10, s9, s10, $0xb8;
	[tilespmem:$0x13000] =	vst v63  }
0x43: {  	s9 =	simm.s32 $0xB00;
	s12 =	simm.s32 $0xC000  }
0x44: {  	[tilespmem:s12], [sflag:$0x1] =	stream.indirect.gather [hbm4b:s3+s10], $0x10, s9, s10, $0xb8;
	[tilespmem:$0x13000] =	vst v63  }
0x45: {  	s1 =	simm.s32 $0xB80;
	s9 =	simm.s32 $0xC800  }
0x46: {  	[tilespmem:s9], [sflag:$0x1] =	stream.indirect.gather [hbm4b:s3+s10], $0x10, s1, s10, $0xb8;
	[tilespmem:$0x13000] =	vst v63  }
0x47: {  	_ = 	snop  }
0x48: {  	[tilespmem:s14], [sflag:$0x1] =	stream.indirect.gather [hbm4b:s3+s10], $0x10, s13, s10, $0xb8;
	[tilespmem:$0x13000] =	vst v63  }
0x49: {  	_ = 	snop  }
0x4a: {  	[tilespmem:s16], [sflag:$0x1] =	stream.indirect.gather [hbm4b:s3+s10], $0x10, s15, s10, $0xb8;
	[tilespmem:$0x13000] =	vst v63  }
0x4b: {  	_ = 	snop  }
0x4c: {  	[tilespmem:s18], [sflag:$0x1] =	stream.indirect.gather [hbm4b:s3+s10], $0x10, s17, s10, $0xb8;
	[tilespmem:$0x13000] =	vst v63  }
0x4d: {  	_ = 	snop  }
0x4e: {  	[tilespmem:s20], [sflag:$0x1] =	stream.indirect.gather [hbm4b:s3+s10], $0x10, s19, s10, $0xb8;
	[tilespmem:$0x13000] =	vst v63  }
0x4f: {  	_ = 	snop  }
0x50: {  	[tilespmem:s22], [sflag:$0x1] =	stream.indirect.gather [hbm4b:s3+s10], $0x10, s21, s10, $0xb8;
	[tilespmem:$0x13000] =	vst v63  }
0x51: {  	_ = 	snop  }
0x52: {  	[tilespmem:s24], [sflag:$0x1] =	stream.indirect.gather [hbm4b:s3+s10], $0x10, s23, s10, $0xb8;
	[tilespmem:$0x13000] =	vst v63  }
0x53: {  	_ = 	snop  }
0x54: {  	[tilespmem:s26], [sflag:$0x1] =	stream.indirect.gather [hbm4b:s3+s10], $0x10, s25, s10, $0xb8;
	[tilespmem:$0x13000] =	vst v63  }
0x55: {  	_ = 	snop  }
0x56: {  	[tilespmem:s29], [sflag:$0x1] =	stream.indirect.gather [hbm4b:s3+s10], $0x10, s28, s10, $0xb8;
	[tilespmem:$0x13000] =	vst v63  }
0x57: {  	_ =	swait.ge [sflag:s30], $0x800  }
0x58: {  	[sflag:s30] =	ssyncset.done $0x0  }
0x59: {  	[sflag:s30] =	ssyncadd.s32 $0xFFFFF800  }
0x5a: {  	_ =	swait.ge [sflag:s30], $0x800  }
0x5b: {  	[sflag:s30] =	ssyncset.done $0x0  }
0x5c: {  	[sflag:s30] =	ssyncadd.s32 $0xFFFFF800  }
0x5d: {  	_ =	swait.ge [sflag:s30], $0x800  }
0x5e: {  	[sflag:s30] =	ssyncset.done $0x0  }
0x5f: {  	[sflag:s30] =	ssyncadd.s32 $0xFFFFF800  }
0x60: {  	_ =	swait.ge [sflag:s30], $0x800  }
0x61: {  	[sflag:s30] =	ssyncset.done $0x0  }
0x62: {  	[sflag:s30] =	ssyncadd.s32 $0xFFFFF800  }
0x63: {  	_ =	swait.ge [sflag:s30], $0x800  }
0x64: {  	[sflag:s30] =	ssyncset.done $0x0  }
0x65: {  	[sflag:s30] =	ssyncadd.s32 $0xFFFFF800  }
0x66: {  	_ =	swait.ge [sflag:s30], $0x800  }
0x67: {  	[sflag:s30] =	ssyncset.done $0x0  }
0x68: {  	[sflag:s30] =	ssyncadd.s32 $0xFFFFF800  }
0x69: {  	_ =	swait.ge [sflag:s30], $0x800  }
0x6a: {  	[sflag:s30] =	ssyncset.done $0x0  }
0x6b: {  	[sflag:s30] =	ssyncadd.s32 $0xFFFFF800  }
0x6c: {  	_ =	swait.ge [sflag:s30], $0x800  }
0x6d: {  	[sflag:s30] =	ssyncset.done $0x0  }
0x6e: {  	[sflag:s30] =	ssyncadd.s32 $0xFFFFF800  }
0x6f: {  	_ =	swait.ge [sflag:s30], $0x800  }
0x70: {  	[sflag:s30] =	ssyncset.done $0x0  }
0x71: {  	[sflag:s30] =	ssyncadd.s32 $0xFFFFF800  }
0x72: {  	_ =	swait.ge [sflag:s30], $0x800  }
0x73: {  	[sflag:s30] =	ssyncset.done $0x0  }
0x74: {  	[sflag:s30] =	ssyncadd.s32 $0xFFFFF800  }
0x75: {  	_ =	swait.ge [sflag:s30], $0x800  }
0x76: {  	[sflag:s30] =	ssyncset.done $0x0  }
0x77: {  	[sflag:s30] =	ssyncadd.s32 $0xFFFFF800  }
0x78: {  	_ =	swait.ge [sflag:s30], $0x800  }
0x79: {  	[sflag:s30] =	ssyncset.done $0x0  }
0x7a: {  	[sflag:s30] =	ssyncadd.s32 $0xFFFFF800  }
0x7b: {  	_ =	swait.ge [sflag:s30], $0x800  }
0x7c: {  	[sflag:s30] =	ssyncset.done $0x0  }
0x7d: {  	[sflag:s30] =	ssyncadd.s32 $0xFFFFF800  }
0x7e: {  	_ =	swait.ge [sflag:s30], $0x800  }
0x7f: {  	[sflag:s30] =	ssyncset.done $0x0  }
0x80: {  	[sflag:s30] =	ssyncadd.s32 $0xFFFFF800  }
0x81: {  	_ =	swait.ge [sflag:s30], $0x800  }
0x82: {  	[sflag:s30] =	ssyncset.done $0x0  }
0x83: {  	[sflag:s30] =	ssyncadd.s32 $0xFFFFF800  }
0x84: {  	_ =	swait.ge [sflag:s30], $0x800  }
0x85: {  	[sflag:s30] =	ssyncset.done $0x0  }
0x86: {  	[sflag:s30] =	ssyncadd.s32 $0xFFFFF800  }
0x87: {  	_ =	swait.ge [sflag:s30], $0x800  }
0x88: {  	[sflag:s30] =	ssyncset.done $0x0  }
0x89: {  	[sflag:s30] =	ssyncadd.s32 $0xFFFFF800  }
0x8a: {  	_ =	swait.ge [sflag:s30], $0x800  }
0x8b: {  	[sflag:s30] =	ssyncset.done $0x0  }
0x8c: {  	[sflag:s30] =	ssyncadd.s32 $0xFFFFF800  }
0x8d: {  	_ =	swait.ge [sflag:s30], $0x800  }
0x8e: {  	[sflag:s30] =	ssyncset.done $0x0  }
0x8f: {  	[sflag:s30] =	ssyncadd.s32 $0xFFFFF800  }
0x90: {  	_ =	swait.ge [sflag:s30], $0x800  }
0x91: {  	[sflag:s30] =	ssyncset.done $0x0  }
0x92: {  	[sflag:s30] =	ssyncadd.s32 $0xFFFFF800  }
0x93: {  	_ =	swait.ge [sflag:s30], $0x800  }
0x94: {  	[sflag:s30] =	ssyncset.done $0x0  }
0x95: {  	[sflag:s30] =	ssyncadd.s32 $0xFFFFF800  }
0x96: {  	_ =	swait.ge [sflag:s30], $0x800  }
0x97: {  	[sflag:s30] =	ssyncset.done $0x0  }
0x98: {  	[sflag:s30] =	ssyncadd.s32 $0xFFFFF800  }
0x99: {  	_ =	swait.ge [sflag:s30], $0x800  }
0x9a: {  	[sflag:s30] =	ssyncset.done $0x0  }
0x9b: {  	[sflag:s30] =	ssyncadd.s32 $0xFFFFF800  }
0x9c: {  	_ =	swait.ge [sflag:s30], $0x800  }
0x9d: {  	[sflag:s30] =	ssyncset.done $0x0  }
0x9e: {  	[sflag:s30] =	ssyncadd.s32 $0xFFFFF800  }
0x9f: {  	_ =	swait.ge [sflag:s30], $0x800  }
0xa0: {  	[sflag:s30] =	ssyncset.done $0x0  }
0xa1: {  	[sflag:s30] =	ssyncadd.s32 $0xFFFFF800  }
0xa2: {  	_ =	swait.ge [sflag:s30], $0x800  }
0xa3: {  	[sflag:s30] =	ssyncset.done $0x0  }
0xa4: {  	[sflag:s30] =	ssyncadd.s32 $0xFFFFF800  }
0xa5: {  	_ =	swait.ge [sflag:s30], $0x800  }
0xa6: {  	[sflag:s30] =	ssyncset.done $0x0  }
0xa7: {  	[sflag:s30] =	ssyncadd.s32 $0xFFFFF800  }
0xa8: {  	_ =	swait.ge [sflag:s30], $0x800  }
0xa9: {  	[sflag:s30] =	ssyncset.done $0x0  }
0xaa: {  	[sflag:s30] =	ssyncadd.s32 $0xFFFFF800  }
0xab: {  	_ =	swait.ge [sflag:s30], $0x800  }
0xac: {  	[sflag:s30] =	ssyncset.done $0x0  }
0xad: {  	[sflag:s30] =	ssyncadd.s32 $0xFFFFF800  }
0xae: {  	_ =	swait.ge [sflag:s30], $0x800  }
0xaf: {  	[sflag:s30] =	ssyncset.done $0x0  }
0xb0: {  	[sflag:s30] =	ssyncadd.s32 $0xFFFFF800  }
0xb1: {  	_ =	swait.ge [sflag:s30], $0x800  }
0xb2: {  	[sflag:s30] =	ssyncset.done $0x0  }
0xb3: {  	[sflag:s30] =	ssyncadd.s32 $0xFFFFF800  }
0xb4: {  	_ =	swait.ge [sflag:s30], $0x800  }
0xb5: {  	[sflag:s30] =	ssyncset.done $0x0  }
0xb6: {  	s0 =	simm.s32 $0x1040;
	[sflag:s30] =	ssyncadd.s32 $0xFFFFF800  }
0xb7: {  	v2 =	vld [tilespmem:s0+$0xFFFFFFC0]  }
0xb8: {  	s12 =	simm.s32 $0x0;
	v4 =	vld [tilespmem:s0+$0x30]  }
0xb9: {  	v0 =	vld [tilespmem:s12+$0x11000]  }
0xba: {  	v3 =	vld [tilespmem:s0+$0xFFFFFFE0]  }
0xbb: {  	v5 =	vld [tilespmem:s0+$0x20]  }
0xbc: {  	v7 =	vld [tilespmem:s0+$0xFFFFFFF0]  }
0xbd: {  	v1 =	vld [tilespmem:s0+$0x0]  }
0xbe: {  	v9 =	vsub.f32 v4, v0;
	v4 =	vld [tilespmem:s0+$0x10]  }
0xbf: {  	v8 =	vsub.f32 v2, v0;
	v2 =	vld [tilespmem:s0+$0xFFFFFFD0]  }
0xc0: {  	v6 =	vsub.f32 v3, v0;
	v5 =	vsub.f32 v5, v0  }
0xc1: {  	s1 =	simm.s32 $0x40;
	s9 =	simm.s32 $0x1040;
	v3 =	vsub.f32 v7, v0;
	v8 =	vsel vm0, v8, v0;
	v7 =	vsel vm0, v9, v0  }
.LBB2_2:
0xc2: {  	p0 =	sne.s32 s1, $0x7FC0  }
0xc3: {  	[tilespmem:s0+$0xFFFFFFC0] =	vst v8;
	v6 =	vsel vm0, v6, v0;
	v4 =	vsub.f32 v4, v0;
	v5 =	vsel vm0, v5, v0;
	s9 =	sadd.s32 $0x80, s9;
	s12 =	smov.u32 s1;
	s1 =	sadd.s32 $0x40, s1  }
0xc4: {  	v1 =	vsub.f32 v1, v0;
	v2 =	vsub.f32 v2, v0;
	[tilespmem:s0+$0x30] =	vst v7  }
0xc5: {  	v3 =	vsel vm0, v3, v0;
	[tilespmem:s0+$0xFFFFFFE0] =	vst v6;
	v4 =	vsel vm0, v4, v0  }
0xc6: {  	v2 =	vsel vm0, v2, v0;
	v0 =	vsel vm0, v1, v0;
	[tilespmem:s0+$0x10] =	vst v4  }
0xc7: {  	v7 =	vld [tilespmem:s9+$0xFFFFFFF0];
	[tilespmem:s0+$0x0] =	vst v0  }
0xc8: {  	v6 =	vld [tilespmem:s9+$0xFFFFFFC0];
	[tilespmem:s0+$0x20] =	vst v5  }
0xc9: {  	v5 =	vld [tilespmem:s9+$0xFFFFFFE0];
	[tilespmem:s0+$0xFFFFFFF0] =	vst v3  }
0xca: {  	s12 =	sshra.s32 s12, $0x2;
	v3 =	vld [tilespmem:s9+$0x30];
	[tilespmem:s0+$0xFFFFFFD0] =	vst v2;
	s0 =	smov.u32 s9  }
0xcb: {  	v0 =	vld [tilespmem:s12+$0x11000]  }
0xcc: {  	v8 =	vld [tilespmem:s9+$0x20]  }
0xcd: {  	v1 =	vld [tilespmem:s9+$0x0]  }
.Ltmp0:
0xce: {  	v4 =	vld [tilespmem:s9+$0x10];
	(pc) =	sbr.rel @p0 .LBB2_2-.Ltmp0, $4  }
0xcf: {  	v2 =	vld [tilespmem:s9+$0xFFFFFFD0]  }
0xd0: {  	v9 =	vsub.f32 v6, v0;
	v10 =	vsub.f32 v3, v0  }
0xd1: {  	v6 =	vsub.f32 v5, v0;
	v5 =	vsub.f32 v8, v0  }
0xd2: {  	v3 =	vsub.f32 v7, v0;
	v8 =	vsel vm0, v9, v0;
	v7 =	vsel vm0, v10, v0  }
0xd3: {  	[tilespmem:s0+$0xFFFFFFC0] =	vst v8  }
0xd4: {  	v6 =	vsel vm0, v6, v0;
	[tilespmem:s0+$0x30] =	vst v7  }
0xd5: {  	v4 =	vsub.f32 v4, v0;
	v61 =	vsel vm0, v5, v0;
	[tilespmem:s0+$0xFFFFFFE0] =	vst v6  }
0xd6: {  	v1 =	vsub.f32 v1, v0;
	v62 =	vsel vm0, v3, v0;
	[tilespmem:s0+$0x20] =	vst v61  }
0xd7: {  	v2 =	vsub.f32 v2, v0;
	v4 =	vsel vm0, v4, v0;
	[tilespmem:s0+$0xFFFFFFF0] =	vst v62  }
0xd8: {  	s31 =	sadd.s32 $0x1, s31;
	v1 =	vsel vm0, v1, v0;
	[tilespmem:s0+$0x10] =	vst v4  }
0xd9: {  	p0 =	sne.s32 s31, s7;
	[tilespmem:s0+$0x0] =	vst v1;
	v63 =	vsel vm0, v2, v0  }
.Ltmp1:
0xda: {  	[tilespmem:s0+$0xFFFFFFD0] =	vst v63;
	(pc) =	sbr.rel @p0 .LBB2_1-.Ltmp1, $4  }
0xdb: {  	[hbm4b:s6+s2] =	stream.linear.scatter [tilespmem:s11], [sflag:$0x2], $0x10000, $0x38;
	[tilespmem:$0x13000] =	vst v63  }
0xdc: {  	_ =	swait.ge [sflag:s8], $0x10000  }
0xdd: {  	[sflag:s8] =	ssyncset.done $0x0  }
0xde: {  	[sflag:s8] =	ssyncadd.s32 $0xFFFF0000  }
0xdf: {  	_ =	sfence.sel $0x180000  }
0xe0: {  	[bflag:$0x0] =	sbarrier.arrive $0xFFFF  }
0xe1: {  	_ =	strace $0x90000047  }
0xe2: {  	s0 =	stileid.u32;
	[bflag:$0x2] =	sbarrier.arrive $0xFFFF  }
0xe3: {  	p0 =	sne.s32 s0, $0x0;
	s0 =	rddreg [dreg:$0x2]  }
0xe4: {  	s0 =	sadd.s32 @!p0 $0x100000, s0  }
0xe5: {  	[sflag:s0] =	ssyncadd.tile.s32 @!p0 $0x1;
	_ =	shalt  }
.Lfunc_end2:
_tile_overlayer_lowered:
.L_overlay_start_2:
0xe6: {  	(tag) =	ssettag $0x2  }
0xe7: {  	s0 =	rddreg [dreg:$0x0];
	s2 =	stileid.u32  }
0xe8: {  	s1 =	rddreg [dreg:$0x1];
	p0 =	sne.s32 s2, $0x0  }
0xe9: {  	s3 =	rddreg [dreg:$0x2];
	[bflag:$0x3] =	sbarrier.arrive $0xFFFF;
	s2 =	simm.s32 @!p0 $0x1C02  }
0xea: {  	[timem:s3], [sflag:s2] =	dma.local @!p0 [hbm:s0], s1  }
0xeb: {  	s0 =	simm.s32 @!p0 $0x2  }
0xec: {  	_ =	swait.ge @!p0 [sflag:s0], s1  }
0xed: {  	s1 =	ssub.s32 @!p0 $0x0, s1;
	[sflag:s0] =	ssyncset.done @!p0 $0x0  }
0xee: {  	[sflag:s0] =	ssyncadd.s32 @!p0 s1  }
0xef: {  	[bflag:$0x3] =	sbarrier.arrive $0xFFFF  }
0xf0: {  	_ =	shalt  }

</sc_bundles>
